<compile_context>
chip_gen: v7x
topology: tpu7x:2x2x1
jax: 0.10.2.dev20260603
libtpu: 0.0.44.dev20260713+nightly
codegen_flags: <defaults>
</compile_context>

<pallas_src>
import functools
import math

import jax
import jax.numpy as jnp
from jax import lax
from jax.experimental import pallas as pl
from jax.experimental.pallas import tpu as pltpu
from jax.experimental.pallas import tpu_sc as plsc

P = 1048576
S = 32
MAP_SIZE = 32.0
SENSOR_NOISE = 0.1
EPS_ROUGH = 0.01
EFF = 0.25
DENOM = 2.0 * (SENSOR_NOISE ** 2 + EPS_ROUGH ** 2)
LOG_UNI = math.log(1.0 / P)

BLK = 4096
ROWS = P // BLK
NW = 32
CHUNK = P // NW
NT16 = P // 16
T16W = CHUNK // 16
TILE = 1024
L = 16



def _dense_body(sens_ref, z_ref, xt_ref, pt_ref, pn_ref, gmax_ref):
    pos2 = xt_ref[0:2, :]
    px = xt_ref[0:1, :]
    py = xt_ref[1:2, :]
    x2 = px * px + py * py
    sens = sens_ref[...]
    s2 = jnp.sum(sens * sens, axis=1, keepdims=True)
    mm = jax.lax.dot_general(
        sens, pos2, (((1,), (0,)), ((), ())),
        preferred_element_type=jnp.float32)
    d2 = jnp.maximum(x2 + s2 - 2.0 * mm, 0.0)

    m1 = jnp.minimum(d2[0:16], d2[16:32])
    m2 = jnp.maximum(d2[0:16], d2[16:32])
    h = 8
    while h >= 1:
        a1, a2 = m1[0:h], m2[0:h]
        b1, b2 = m1[h:2 * h], m2[h:2 * h]
        nm1 = jnp.minimum(a1, b1)
        nm2 = jnp.minimum(jnp.maximum(a1, b1), jnp.minimum(a2, b2))
        m1, m2 = nm1, nm2
        h //= 2
    d0 = jnp.sqrt(m1)
    d1 = jnp.sqrt(m2)
    f0 = d0 - z_ref[0, 0]
    f1 = d1 - z_ref[0, 1]
    lw = -(f0 * f0 + f1 * f1) / DENOM
    pn = pt_ref[...] + lw
    pn_ref[...] = pn.reshape(1, 1, BLK)

    i = pl.program_id(0)
    bmax = jnp.max(pn)

    @pl.when(i == 0)
    def _():
        gmax_ref[0, 0] = bmax

    @pl.when(i > 0)
    def _():
        gmax_ref[0, 0] = jnp.maximum(gmax_ref[0, 0], bmax)


def _dense_call(xt, pt, sensors, z2):
    return pl.pallas_call(
        _dense_body,
        grid=(ROWS,),
        in_specs=[
            pl.BlockSpec((S, 2), lambda i: (0, 0)),
            pl.BlockSpec((1, 2), lambda i: (0, 0)),
            pl.BlockSpec((3, BLK), lambda i: (0, i)),
            pl.BlockSpec((1, BLK), lambda i: (0, i)),
        ],
        out_specs=[
            pl.BlockSpec((1, 1, BLK), lambda i: (i, 0, 0)),
            pl.BlockSpec((1, 1), lambda i: (0, 0),
                         memory_space=pltpu.SMEM),
        ],
        out_shape=[
            jax.ShapeDtypeStruct((ROWS, 1, BLK), jnp.float32),
            jax.ShapeDtypeStruct((1, 1), jnp.float32),
        ],
    )(sensors, z2, xt, pt)



def _cdf_stage_kernel(cdf1):
    mesh = plsc.VectorSubcoreMesh(core_axis_name="c", subcore_axis_name="s")

    @functools.partial(
        pl.kernel, mesh=mesh,
        out_type=[
            jax.ShapeDtypeStruct((NT16, 16), jnp.float32),
            jax.ShapeDtypeStruct((NT16,), jnp.float32),
        ],
        scratch_types=[
            pltpu.VMEM((CHUNK,), jnp.float32),
            pltpu.VMEM((T16W, 16), jnp.float32),
            pltpu.VMEM((T16W,), jnp.float32),
            pltpu.SemaphoreType.DMA,
        ],
        compiler_params=pltpu.CompilerParams(needs_layout_passes=False, use_tc_tiling_on_sc=False),
    )
    def k(cdf_hbm_in, cdf_hbm, t16_hbm, cbuf1, cbuf, tbuf, sem):
        wid = lax.axis_index("s") * 2 + lax.axis_index("c")
        base = wid * CHUNK
        pltpu.sync_copy(cdf_hbm_in.at[pl.ds(base, CHUNK)], cbuf1)
        lane = lax.iota(jnp.int32, 16)

        def rbody(i, _):
            cbuf[i, :] = cbuf1[pl.ds(i * 16, 16)]
            return 0

        lax.fori_loop(0, T16W, rbody, 0)

        def tbody(i, _):
            idx = (i * 16 + lane) * 16 + 15
            tbuf[pl.ds(i * 16, 16)] = plsc.load_gather(cbuf1, [idx])
            return 0

        lax.fori_loop(0, T16W // 16, tbody, 0)

        pltpu.sync_copy(cbuf, cdf_hbm.at[pl.ds(wid * T16W, T16W)])
        pltpu.sync_copy(tbuf, t16_hbm.at[pl.ds(wid * T16W, T16W)])

    return k(cdf1)



XSUB = 4096


def _reformat_kernel(x1d):
    mesh = plsc.VectorSubcoreMesh(core_axis_name="c", subcore_axis_name="s")

    @functools.partial(
        pl.kernel, mesh=mesh,
        out_type=jax.ShapeDtypeStruct((P, 16), jnp.float32),
        scratch_types=[
            pltpu.VMEM((XSUB * 3,), jnp.float32),
            pltpu.VMEM((XSUB, 16), jnp.float32),
            pltpu.SemaphoreType.DMA,
        ],
        compiler_params=pltpu.CompilerParams(needs_layout_passes=False, use_tc_tiling_on_sc=False),
    )
    def k(x_hbm, xsc_hbm, ibuf, obuf, sem):
        wid = lax.axis_index("s") * 2 + lax.axis_index("c")
        lane = lax.iota(jnp.int32, 16)

        def tile_body(t, _):
            base = wid * CHUNK + t * XSUB
            pltpu.sync_copy(x_hbm.at[pl.ds(base * 3, XSUB * 3)], ibuf)

            def p(v, _):
                rows = v * 16 + lane
                for c in range(3):
                    vals = plsc.load_gather(ibuf, [rows * 3 + c])
                    plsc.store_scatter(
                        obuf, [rows, jnp.full((16,), c, jnp.int32)], vals)
                plsc.store_scatter(
                    obuf, [rows, jnp.full((16,), 3, jnp.int32)],
                    jnp.full((16,), LOG_UNI, jnp.float32))
                return 0

            lax.fori_loop(0, XSUB // 16, p, 0, unroll=2)
            pltpu.sync_copy(obuf, xsc_hbm.at[pl.ds(base, XSUB)])
            return 0

        lax.fori_loop(0, CHUNK // XSUB, tile_body, 0)

    return k(x1d)



def _resample_kernel(u, cdf, t16, xsc):
    mesh = plsc.VectorSubcoreMesh(core_axis_name="c", subcore_axis_name="s")

    @functools.partial(
        pl.kernel, mesh=mesh,
        out_type=jax.ShapeDtypeStruct((P, 4), jnp.float32),
        scratch_types=[
            pltpu.VMEM((NT16,), jnp.float32),
            pltpu.VMEM((TILE,), jnp.float32),
            pltpu.VMEM((TILE,), jnp.int32),
            pltpu.VMEM((TILE, 16), jnp.float32),
            pltpu.VMEM((TILE,), jnp.int32),
            pltpu.VMEM((TILE, 16), jnp.float32),
            pltpu.VMEM((TILE, 4), jnp.float32),
            pltpu.SemaphoreType.DMA,
        ],
        compiler_params=pltpu.CompilerParams(needs_layout_passes=False, use_tc_tiling_on_sc=False),
    )
    def k(u_hbm, cdf_hbm, t16_hbm, xsc_hbm, out_hbm,
          tab, ubuf, jbuf, chunk, ibuf, gbuf, obuf, sem):
        wid = lax.axis_index("s") * 2 + lax.axis_index("c")
        pltpu.sync_copy(t16_hbm, tab)
        lane = lax.iota(jnp.int32, 16)

        def tile_body(t, _):
            base = wid * CHUNK + t * TILE
            pltpu.sync_copy(u_hbm.at[pl.ds(base, TILE)], ubuf)

            def p1(v, _):
                uv = ubuf[pl.ds(v * 16, 16)]
                pos = jnp.zeros((16,), jnp.int32)
                for s in range(15, -1, -1):
                    step = 1 << s
                    probe = pos + (step - 1)
                    val = plsc.load_gather(tab, [probe])
                    pos = jnp.where(val <= uv, pos + step, pos)
                jbuf[pl.ds(v * 16, 16)] = jnp.minimum(pos, NT16 - 1)
                return 0

            lax.fori_loop(0, TILE // 16, p1, 0, unroll=2)

            pltpu.async_copy(cdf_hbm.at[jbuf], chunk, sem).wait()

            def p2(v, _):
                uv = ubuf[pl.ds(v * 16, 16)]
                j16 = jbuf[pl.ds(v * 16, 16)]
                rows = v * 16 + lane
                pos = jnp.zeros((16,), jnp.int32)
                for s in (8, 4, 2, 1):
                    val = plsc.load_gather(chunk, [rows, pos + (s - 1)])
                    pos = jnp.where(val <= uv, pos + s, pos)
                val = plsc.load_gather(chunk, [rows, pos])
                cnt = pos + jnp.where(val <= uv, 1, 0)
                idx = j16 * 16 + cnt
                ibuf[pl.ds(v * 16, 16)] = jnp.minimum(idx, P - 1)
                return 0

            lax.fori_loop(0, TILE // 16, p2, 0, unroll=2)

            pltpu.async_copy(xsc_hbm.at[ibuf], gbuf, sem).wait()

            def p3(v, _):
                rows = v * 16 + lane
                for c in range(4):
                    cc = jnp.full((16,), c, jnp.int32)
                    plsc.store_scatter(
                        obuf, [rows, cc], plsc.load_gather(gbuf, [rows, cc]))
                return 0

            lax.fori_loop(0, TILE // 16, p3, 0, unroll=2)
            pltpu.sync_copy(obuf, out_hbm.at[pl.ds(base, TILE)])
            return 0

        lax.fori_loop(0, CHUNK // TILE, tile_body, 0)

    return k(u, cdf, t16, xsc)



def kernel(x, p, sensors, z):
    xt = x.T
    pt = p.T
    z2 = z[:2].reshape(1, 2)

    pn, gmax = _dense_call(xt, pt, sensors, z2)
    p_new = pn.reshape(P, 1)

    logp = jax.nn.log_softmax(p_new, axis=0)
    probs = jnp.exp(logp)
    n_eff = 1.0 / jnp.sum(probs ** 2)
    cond = n_eff <= (EFF * P)
    cdf1 = jnp.cumsum(probs[:, 0])

    cdf, t16 = _cdf_stage_kernel(cdf1)

    u = jax.random.uniform(jax.random.key(42), (P,), dtype=jnp.float32)

    def resample(_):
        xsc = _reformat_kernel(x.reshape(P * 3))
        return _resample_kernel(u, cdf, t16, xsc)

    def no_resample(_):
        return jnp.concatenate([x, logp], axis=1)

    return lax.cond(cond, resample, no_resample, operand=None)

# --- scband reference (transcript-rebuilt; emitter-appended) ---
"""Pipeline reference for scband-particle-filter-10831907520858 (READ-ONLY COPY).

The authoritative reference and input builder live on the scoring server;
editing this copy changes nothing except your own understanding.
"""

import jax, jax.numpy as jnp
import numpy as np

P = 1048576
S = 32
M = 8
MAP_SIZE = 32.0
SENSOR_NOISE = 0.1
EPS_ROUGH = 0.01
EFF = 0.25


def setup_inputs(seed: int = 0) -> dict:
    key = jax.random.key(seed)
    k1, k2, k3, k4 = jax.random.split(key, 4)
    x = jax.random.uniform(k1, (P, 3), dtype=jnp.float32) * MAP_SIZE
    p = jax.random.normal(k2, (P, 1), dtype=jnp.float32) * 0.1
    sensors = jax.random.uniform(k3, (S, 2), dtype=jnp.float32) * MAP_SIZE
    z = jax.random.uniform(k4, (M,), dtype=jnp.float32) * 10.0
    return {"x": x, "p": p, "sensors": sensors, "z": z}


def reference(x, p, sensors, z):
    # --- distance(): cdist via mm (use_mm_for_euclid) ---
    pos = x[:, :2]
    x2 = jnp.sum(pos ** 2, axis=1, keepdims=True)          # [P,1]
    s2 = jnp.sum(sensors ** 2, axis=1)[None, :]            # [1,S]
    d2 = jnp.maximum(x2 + s2 - 2.0 * (pos @ sensors.T), 0.0)
    D = jnp.sqrt(d2)                                       # [P,S]
    # --- distance_to_sensors(): smallest M distances, ascending ---
    neg_top, _ = jax.lax.top_k(-D, M)
    dist_sorted = -neg_top                                 # [P,M] ascending
    # --- update(z): log weight from 2 nearest sensors ---
    diff = dist_sorted - z[None, :]
    denom = 2.0 * (SENSOR_NOISE ** 2 + EPS_ROUGH ** 2)
    log_w = -jnp.sum(diff[:, :2] ** 2, axis=1) / denom     # [P]
    p_new = p + log_w[:, None]                             # [P,1]
    logp = jax.nn.log_softmax(p_new, axis=0)
    probs = jnp.exp(logp)
    # --- N_eff and hard_resampling (multinomial w/ replacement via inverse CDF) ---
    n_eff = 1.0 / jnp.sum(probs ** 2)
    cond = n_eff <= (EFF * P)
    cdf = jnp.cumsum(probs[:, 0])
    u = jax.random.uniform(jax.random.key(42), (P,), dtype=jnp.float32)
    idx = jnp.clip(jnp.searchsorted(cdf, u, side='right'), 0, P - 1)
    x_res = jnp.take(x, idx, axis=0)
    p_uni = jnp.full((P, 1), jnp.log(1.0 / P), dtype=p.dtype)
    x_out = jnp.where(cond, x_res, x)
    p_out = jnp.where(cond, p_uni, logp)
    return jnp.concatenate([x_out, p_out], axis=1)

if __name__ == "__main__":
    import jax
    _d = setup_inputs()
    print(jax.jit(kernel)(*tuple(_d.values())))

</pallas_src>

<mosaic_0001>
#map = affine_map<(d0, d1) -> (0)>
#map1 = affine_map<(d0, d1) -> (0, 0)>
module attributes {stable_mosaic.version = 14 : i64} {
  func.func @k(%arg0: i32, %arg1: i32, %arg2: memref<1048576xf32, #tpu.memory_space<hbm>>, %arg3: memref<65536x16xf32, #tpu.memory_space<hbm>>, %arg4: memref<65536xf32, #tpu.memory_space<hbm>>, %arg5: memref<32768xf32, #tpu.memory_space<vmem>>, %arg6: memref<2048x16xf32, #tpu.memory_space<vmem>>, %arg7: memref<2048xf32, #tpu.memory_space<vmem>>, %arg8: memref<!tpu.dma_semaphore, #tpu.memory_space<semaphore_mem>>) attributes {dimension_semantics = [#tpu.dimension_semantics<core_parallel>, #tpu.dimension_semantics<subcore_parallel>], iteration_bounds = array<i64: 2, 16>, scalar_prefetch = 0 : i64, scratch_operands = 4 : i64, tpu.core_type = #tpu.core_type<sc_vector_subcore>, window_params = [{transform_indices = #map}, {transform_indices = #map1}, {transform_indices = #map}]} {
    %mul3A = arith.constant 2 : i32
    %mul3A_0 = arith.muli %arg1, %mul3A : i32
    %add3A = arith.addi %mul3A_0, %arg0 : i32
    %mul3A_1 = arith.constant 32768 : i32
    %mul3A_2 = arith.muli %add3A, %mul3A_1 : i32
    "tpu.region"() ({
      %run_scoped3A = tpu.sem_alloc : memref<!tpu.dma_semaphore, #tpu.memory_space<semaphore_mem>>
      %dma_start3A = tpu.memref_slice %arg2[%mul3A_2] : memref<1048576xf32, #tpu.memory_space<hbm>> -> memref<32768xf32, #tpu.memory_space<hbm>>
      %dma_start3A_20 = tpu.memref_slice %arg2[%mul3A_2] : memref<1048576xf32, #tpu.memory_space<hbm>> -> memref<32768xf32, #tpu.memory_space<hbm>>
      tpu.enqueue_dma source(%dma_start3A_20 : memref<32768xf32, #tpu.memory_space<hbm>>) target(%arg5 : memref<32768xf32, #tpu.memory_space<vmem>>) target_semaphore(%run_scoped3A : memref<!tpu.dma_semaphore, #tpu.memory_space<semaphore_mem>>)
      %dma_wait3A = tpu.memref_slice %arg2[%mul3A_2] : memref<1048576xf32, #tpu.memory_space<hbm>> -> memref<32768xf32, #tpu.memory_space<hbm>>
      %dma_wait3A_21 = tpu.memref_slice %arg2[%mul3A_2] : memref<1048576xf32, #tpu.memory_space<hbm>> -> memref<32768xf32, #tpu.memory_space<hbm>>
      tpu.wait_dma2 semaphore(%run_scoped3A : memref<!tpu.dma_semaphore, #tpu.memory_space<semaphore_mem>>) src(%dma_wait3A_21 : memref<32768xf32, #tpu.memory_space<hbm>>) dst(%arg5 : memref<32768xf32, #tpu.memory_space<vmem>>)
      tpu.yield
    }) : () -> ()
    %iota3A = tpu.iota {dimensions = array<i32: 0>} : vector<16xi32>
    %scan3A = arith.constant 0 : i32
    %scan3A_3 = arith.constant 0 : i32
    %scan3A_4 = arith.constant 2048 : i32
    %scan3A_5 = arith.addi %scan3A_3, %scan3A_4 : i32
    %scan3A_6 = arith.constant 1 : i32
    %scan3A_7 = scf.for %scan3A_20 = %scan3A_3 to %scan3A_5 step %scan3A_6 iter_args(%scan3A_21 = %scan3A) -> (i32)  : i32 {
      %mul3A_22 = arith.constant 16 : i32
      %mul3A_23 = arith.muli %scan3A_20, %mul3A_22 : i32
      %get3A = arith.index_cast %mul3A_23 : i32 to index
      %get3A_24 = tpu.vector_load %arg5[%get3A] {strides = array<i32>} : memref<32768xf32, #tpu.memory_space<vmem>>, vector<16xf32>,
      %swap3A = arith.index_cast %scan3A_20 : i32 to index
      %swap3A_25 = arith.constant 0 : index
      %swap3A_26 = tpu.vector_load %arg6[%swap3A, %swap3A_25] {strides = array<i32>} : memref<2048x16xf32, #tpu.memory_space<vmem>>, vector<16xf32>,
      tpu.vector_store %arg6[%swap3A, %swap3A_25], %get3A_24 {strides = array<i32>} : memref<2048x16xf32, #tpu.memory_space<vmem>>, vector<16xf32>,
      %scan3A_27 = arith.constant 0 : i32
      scf.yield %scan3A_27 : i32
    }
    %scan3A_8 = arith.constant 2048 : i32
    %scan3A_9 = arith.constant 0 : i32
    %scan3A_10 = arith.constant 0 : i32
    %scan3A_11 = arith.constant 128 : i32
    %scan3A_12 = arith.addi %scan3A_10, %scan3A_11 : i32
    %scan3A_13 = arith.constant 1 : i32
    %scan3A_14 = scf.for %scan3A_20 = %scan3A_10 to %scan3A_12 step %scan3A_13 iter_args(%scan3A_21 = %scan3A_9) -> (i32)  : i32 {
      %mul3A_22 = arith.constant 16 : i32
      %mul3A_23 = arith.muli %scan3A_20, %mul3A_22 : i32
      %add3A_24 = vector.broadcast %mul3A_23 : i32 to vector<16xi32>
      %add3A_25 = arith.addi %add3A_24, %iota3A : vector<16xi32>
      %mul3A_26 = arith.constant 16 : i32
      %mul3A_27 = vector.broadcast %mul3A_26 : i32 to vector<16xi32>
      %mul3A_28 = arith.muli %add3A_25, %mul3A_27 : vector<16xi32>
      %add3A_29 = arith.constant 15 : i32
      %add3A_30 = vector.broadcast %add3A_29 : i32 to vector<16xi32>
      %add3A_31 = arith.addi %mul3A_28, %add3A_30 : vector<16xi32>
      %gather3A = tpu.vector_load_idx %arg5[%add3A_31] : memref<32768xf32, #tpu.memory_space<vmem>>[vector<16xi32>], vector<16xf32>,
      %mul3A_32 = arith.constant 16 : i32
      %mul3A_33 = arith.muli %scan3A_20, %mul3A_32 : i32
      %swap3A = arith.index_cast %mul3A_33 : i32 to index
      %swap3A_34 = tpu.vector_load %arg7[%swap3A] {strides = array<i32>} : memref<2048xf32, #tpu.memory_space<vmem>>, vector<16xf32>,
      tpu.vector_store %arg7[%swap3A], %gather3A {strides = array<i32>} : memref<2048xf32, #tpu.memory_space<vmem>>, vector<16xf32>,
      %scan3A_35 = arith.constant 0 : i32
      scf.yield %scan3A_35 : i32
    }
    %scan3A_15 = arith.constant 128 : i32
    %mul3A_16 = arith.constant 2048 : i32
    %mul3A_17 = arith.muli %add3A, %mul3A_16 : i32
    "tpu.region"() ({
      %run_scoped3A = tpu.sem_alloc : memref<!tpu.dma_semaphore, #tpu.memory_space<semaphore_mem>>
      %dma_start3A = arith.constant 0 : i32
      %dma_start3A_20 = tpu.memref_slice %arg3[%mul3A_17, %dma_start3A] : memref<65536x16xf32, #tpu.memory_space<hbm>> -> memref<2048x16xf32, #tpu.memory_space<hbm>>
      %dma_start3A_21 = arith.constant 0 : i32
      %dma_start3A_22 = tpu.memref_slice %arg3[%mul3A_17, %dma_start3A_21] : memref<65536x16xf32, #tpu.memory_space<hbm>> -> memref<2048x16xf32, #tpu.memory_space<hbm>>
      tpu.enqueue_dma source(%arg6 : memref<2048x16xf32, #tpu.memory_space<vmem>>) target(%dma_start3A_22 : memref<2048x16xf32, #tpu.memory_space<hbm>>) target_semaphore(%run_scoped3A : memref<!tpu.dma_semaphore, #tpu.memory_space<semaphore_mem>>)
      %dma_wait3A = arith.constant 0 : i32
      %dma_wait3A_23 = tpu.memref_slice %arg3[%mul3A_17, %dma_wait3A] : memref<65536x16xf32, #tpu.memory_space<hbm>> -> memref<2048x16xf32, #tpu.memory_space<hbm>>
      %dma_wait3A_24 = arith.constant 0 : i32
      %dma_wait3A_25 = tpu.memref_slice %arg3[%mul3A_17, %dma_wait3A_24] : memref<65536x16xf32, #tpu.memory_space<hbm>> -> memref<2048x16xf32, #tpu.memory_space<hbm>>
      tpu.wait_dma2 semaphore(%run_scoped3A : memref<!tpu.dma_semaphore, #tpu.memory_space<semaphore_mem>>) src(%arg6 : memref<2048x16xf32, #tpu.memory_space<vmem>>) dst(%dma_wait3A_25 : memref<2048x16xf32, #tpu.memory_space<hbm>>)
      tpu.yield
    }) : () -> ()
    %mul3A_18 = arith.constant 2048 : i32
    %mul3A_19 = arith.muli %add3A, %mul3A_18 : i32
    "tpu.region"() ({
      %run_scoped3A = tpu.sem_alloc : memref<!tpu.dma_semaphore, #tpu.memory_space<semaphore_mem>>
      %dma_start3A = tpu.memref_slice %arg4[%mul3A_19] : memref<65536xf32, #tpu.memory_space<hbm>> -> memref<2048xf32, #tpu.memory_space<hbm>>
      %dma_start3A_20 = tpu.memref_slice %arg4[%mul3A_19] : memref<65536xf32, #tpu.memory_space<hbm>> -> memref<2048xf32, #tpu.memory_space<hbm>>
      tpu.enqueue_dma source(%arg7 : memref<2048xf32, #tpu.memory_space<vmem>>) target(%dma_start3A_20 : memref<2048xf32, #tpu.memory_space<hbm>>) target_semaphore(%run_scoped3A : memref<!tpu.dma_semaphore, #tpu.memory_space<semaphore_mem>>)
      %dma_wait3A = tpu.memref_slice %arg4[%mul3A_19] : memref<65536xf32, #tpu.memory_space<hbm>> -> memref<2048xf32, #tpu.memory_space<hbm>>
      %dma_wait3A_21 = tpu.memref_slice %arg4[%mul3A_19] : memref<65536xf32, #tpu.memory_space<hbm>> -> memref<2048xf32, #tpu.memory_space<hbm>>
      tpu.wait_dma2 semaphore(%run_scoped3A : memref<!tpu.dma_semaphore, #tpu.memory_space<semaphore_mem>>) src(%arg7 : memref<2048xf32, #tpu.memory_space<vmem>>) dst(%dma_wait3A_21 : memref<2048xf32, #tpu.memory_space<hbm>>)
      tpu.yield
    }) : () -> ()
    return
  }
}

#map = affine_map<(d0, d1) -> (0)>
#map1 = affine_map<(d0, d1) -> (0, 0)>
module attributes {stable_mosaic.version = 14 : i64} {
  func.func @k(%arg0: i32, %arg1: i32, %arg2: memref<3145728xf32, #tpu.memory_space<hbm>>, %arg3: memref<1048576x16xf32, #tpu.memory_space<hbm>>, %arg4: memref<12288xf32, #tpu.memory_space<vmem>>, %arg5: memref<4096x16xf32, #tpu.memory_space<vmem>>, %arg6: memref<!tpu.dma_semaphore, #tpu.memory_space<semaphore_mem>>) attributes {dimension_semantics = [#tpu.dimension_semantics<core_parallel>, #tpu.dimension_semantics<subcore_parallel>], iteration_bounds = array<i64: 2, 16>, scalar_prefetch = 0 : i64, scratch_operands = 3 : i64, tpu.core_type = #tpu.core_type<sc_vector_subcore>, window_params = [{transform_indices = #map}, {transform_indices = #map1}]} {
    %mul3A = arith.constant 2 : i32
    %mul3A_0 = arith.muli %arg1, %mul3A : i32
    %add3A = arith.addi %mul3A_0, %arg0 : i32
    %iota3A = tpu.iota {dimensions = array<i32: 0>} : vector<16xi32>
    %scan3A = arith.constant 0 : i32
    %scan3A_1 = arith.constant 0 : i32
    %scan3A_2 = arith.constant 8 : i32
    %scan3A_3 = arith.addi %scan3A_1, %scan3A_2 : i32
    %scan3A_4 = arith.constant 1 : i32
    %scan3A_5 = scf.for %scan3A_7 = %scan3A_1 to %scan3A_3 step %scan3A_4 iter_args(%scan3A_8 = %scan3A) -> (i32)  : i32 {
      %mul3A_9 = arith.constant 32768 : i32
      %mul3A_10 = arith.muli %add3A, %mul3A_9 : i32
      %mul3A_11 = arith.constant 4096 : i32
      %mul3A_12 = arith.muli %scan3A_7, %mul3A_11 : i32
      %add3A_13 = arith.addi %mul3A_10, %mul3A_12 : i32
      %mul3A_14 = arith.constant 3 : i32
      %mul3A_15 = arith.muli %add3A_13, %mul3A_14 : i32
      "tpu.region"() ({
        %run_scoped3A = tpu.sem_alloc : memref<!tpu.dma_semaphore, #tpu.memory_space<semaphore_mem>>
        %dma_start3A = tpu.memref_slice %arg2[%mul3A_15] : memref<3145728xf32, #tpu.memory_space<hbm>> -> memref<12288xf32, #tpu.memory_space<hbm>>
        %dma_start3A_24 = tpu.memref_slice %arg2[%mul3A_15] : memref<3145728xf32, #tpu.memory_space<hbm>> -> memref<12288xf32, #tpu.memory_space<hbm>>
        tpu.enqueue_dma source(%dma_start3A_24 : memref<12288xf32, #tpu.memory_space<hbm>>) target(%arg4 : memref<12288xf32, #tpu.memory_space<vmem>>) target_semaphore(%run_scoped3A : memref<!tpu.dma_semaphore, #tpu.memory_space<semaphore_mem>>)
        %dma_wait3A = tpu.memref_slice %arg2[%mul3A_15] : memref<3145728xf32, #tpu.memory_space<hbm>> -> memref<12288xf32, #tpu.memory_space<hbm>>
        %dma_wait3A_25 = tpu.memref_slice %arg2[%mul3A_15] : memref<3145728xf32, #tpu.memory_space<hbm>> -> memref<12288xf32, #tpu.memory_space<hbm>>
        tpu.wait_dma2 semaphore(%run_scoped3A : memref<!tpu.dma_semaphore, #tpu.memory_space<semaphore_mem>>) src(%dma_wait3A_25 : memref<12288xf32, #tpu.memory_space<hbm>>) dst(%arg4 : memref<12288xf32, #tpu.memory_space<vmem>>)
        tpu.yield
      }) : () -> ()
      %scan3A_16 = arith.constant 0 : i32
      %scan3A_17 = arith.constant 0 : i32
      %scan3A_18 = arith.constant 256 : i32
      %scan3A_19 = arith.addi %scan3A_17, %scan3A_18 : i32
      %scan3A_20 = arith.constant 2 : i32
      %scan3A_21 = scf.for %scan3A_24 = %scan3A_17 to %scan3A_19 step %scan3A_20 iter_args(%scan3A_25 = %scan3A_16) -> (i32)  : i32 {
        %mul3A_26 = arith.constant 16 : i32
        %mul3A_27 = arith.muli %scan3A_24, %mul3A_26 : i32
        %add3A_28 = vector.broadcast %mul3A_27 : i32 to vector<16xi32>
        %add3A_29 = arith.addi %add3A_28, %iota3A : vector<16xi32>
        %mul3A_30 = arith.constant 3 : i32
        %mul3A_31 = vector.broadcast %mul3A_30 : i32 to vector<16xi32>
        %mul3A_32 = arith.muli %add3A_29, %mul3A_31 : vector<16xi32>
        %add3A_33 = arith.constant 0 : i32
        %add3A_34 = vector.broadcast %add3A_33 : i32 to vector<16xi32>
        %add3A_35 = arith.addi %mul3A_32, %add3A_34 : vector<16xi32>
        %gather3A = tpu.vector_load_idx %arg4[%add3A_35] : memref<12288xf32, #tpu.memory_space<vmem>>[vector<16xi32>], vector<16xf32>,
        %broadcast_in_dim3A = arith.constant 0 : i32
        %broadcast_in_dim3A_36 = vector.broadcast %broadcast_in_dim3A : i32 to vector<16xi32>
        tpu.vector_store_idx %arg5[%add3A_29, %broadcast_in_dim3A_36], %gather3A : memref<4096x16xf32, #tpu.memory_space<vmem>>[vector<16xi32>, vector<16xi32>], vector<16xf32>,
        %mul3A_37 = arith.constant 3 : i32
        %mul3A_38 = vector.broadcast %mul3A_37 : i32 to vector<16xi32>
        %mul3A_39 = arith.muli %add3A_29, %mul3A_38 : vector<16xi32>
        %add3A_40 = arith.constant 1 : i32
        %add3A_41 = vector.broadcast %add3A_40 : i32 to vector<16xi32>
        %add3A_42 = arith.addi %mul3A_39, %add3A_41 : vector<16xi32>
        %gather3A_43 = tpu.vector_load_idx %arg4[%add3A_42] : memref<12288xf32, #tpu.memory_space<vmem>>[vector<16xi32>], vector<16xf32>,
        %broadcast_in_dim3A_44 = arith.constant 1 : i32
        %broadcast_in_dim3A_45 = vector.broadcast %broadcast_in_dim3A_44 : i32 to vector<16xi32>
        tpu.vector_store_idx %arg5[%add3A_29, %broadcast_in_dim3A_45], %gather3A_43 : memref<4096x16xf32, #tpu.memory_space<vmem>>[vector<16xi32>, vector<16xi32>], vector<16xf32>,
        %mul3A_46 = arith.constant 3 : i32
        %mul3A_47 = vector.broadcast %mul3A_46 : i32 to vector<16xi32>
        %mul3A_48 = arith.muli %add3A_29, %mul3A_47 : vector<16xi32>
        %add3A_49 = arith.constant 2 : i32
        %add3A_50 = vector.broadcast %add3A_49 : i32 to vector<16xi32>
        %add3A_51 = arith.addi %mul3A_48, %add3A_50 : vector<16xi32>
        %gather3A_52 = tpu.vector_load_idx %arg4[%add3A_51] : memref<12288xf32, #tpu.memory_space<vmem>>[vector<16xi32>], vector<16xf32>,
        %broadcast_in_dim3A_53 = arith.constant 2 : i32
        %broadcast_in_dim3A_54 = vector.broadcast %broadcast_in_dim3A_53 : i32 to vector<16xi32>
        tpu.vector_store_idx %arg5[%add3A_29, %broadcast_in_dim3A_54], %gather3A_52 : memref<4096x16xf32, #tpu.memory_space<vmem>>[vector<16xi32>, vector<16xi32>], vector<16xf32>,
        %broadcast_in_dim3A_55 = arith.constant 3 : i32
        %broadcast_in_dim3A_56 = vector.broadcast %broadcast_in_dim3A_55 : i32 to vector<16xi32>
        %broadcast_in_dim3A_57 = arith.constant -13.8629436 : f32
        %broadcast_in_dim3A_58 = vector.broadcast %broadcast_in_dim3A_57 : f32 to vector<16xf32>
        tpu.vector_store_idx %arg5[%add3A_29, %broadcast_in_dim3A_56], %broadcast_in_dim3A_58 : memref<4096x16xf32, #tpu.memory_space<vmem>>[vector<16xi32>, vector<16xi32>], vector<16xf32>,
        %scan3A_59 = arith.constant 0 : i32
        %scan3A_60 = arith.constant 1 : i32
        %scan3A_61 = arith.addi %scan3A_24, %scan3A_60 : i32
        %mul3A_62 = arith.constant 16 : i32
        %mul3A_63 = arith.muli %scan3A_61, %mul3A_62 : i32
        %add3A_64 = vector.broadcast %mul3A_63 : i32 to vector<16xi32>
        %add3A_65 = arith.addi %add3A_64, %iota3A : vector<16xi32>
        %mul3A_66 = arith.constant 3 : i32
        %mul3A_67 = vector.broadcast %mul3A_66 : i32 to vector<16xi32>
        %mul3A_68 = arith.muli %add3A_65, %mul3A_67 : vector<16xi32>
        %add3A_69 = arith.constant 0 : i32
        %add3A_70 = vector.broadcast %add3A_69 : i32 to vector<16xi32>
        %add3A_71 = arith.addi %mul3A_68, %add3A_70 : vector<16xi32>
        %gather3A_72 = tpu.vector_load_idx %arg4[%add3A_71] : memref<12288xf32, #tpu.memory_space<vmem>>[vector<16xi32>], vector<16xf32>,
        %broadcast_in_dim3A_73 = arith.constant 0 : i32
        %broadcast_in_dim3A_74 = vector.broadcast %broadcast_in_dim3A_73 : i32 to vector<16xi32>
        tpu.vector_store_idx %arg5[%add3A_65, %broadcast_in_dim3A_74], %gather3A_72 : memref<4096x16xf32, #tpu.memory_space<vmem>>[vector<16xi32>, vector<16xi32>], vector<16xf32>,
        %mul3A_75 = arith.constant 3 : i32
        %mul3A_76 = vector.broadcast %mul3A_75 : i32 to vector<16xi32>
        %mul3A_77 = arith.muli %add3A_65, %mul3A_76 : vector<16xi32>
        %add3A_78 = arith.constant 1 : i32
        %add3A_79 = vector.broadcast %add3A_78 : i32 to vector<16xi32>
        %add3A_80 = arith.addi %mul3A_77, %add3A_79 : vector<16xi32>
        %gather3A_81 = tpu.vector_load_idx %arg4[%add3A_80] : memref<12288xf32, #tpu.memory_space<vmem>>[vector<16xi32>], vector<16xf32>,
        %broadcast_in_dim3A_82 = arith.constant 1 : i32
        %broadcast_in_dim3A_83 = vector.broadcast %broadcast_in_dim3A_82 : i32 to vector<16xi32>
        tpu.vector_store_idx %arg5[%add3A_65, %broadcast_in_dim3A_83], %gather3A_81 : memref<4096x16xf32, #tpu.memory_space<vmem>>[vector<16xi32>, vector<16xi32>], vector<16xf32>,
        %mul3A_84 = arith.constant 3 : i32
        %mul3A_85 = vector.broadcast %mul3A_84 : i32 to vector<16xi32>
        %mul3A_86 = arith.muli %add3A_65, %mul3A_85 : vector<16xi32>
        %add3A_87 = arith.constant 2 : i32
        %add3A_88 = vector.broadcast %add3A_87 : i32 to vector<16xi32>
        %add3A_89 = arith.addi %mul3A_86, %add3A_88 : vector<16xi32>
        %gather3A_90 = tpu.vector_load_idx %arg4[%add3A_89] : memref<12288xf32, #tpu.memory_space<vmem>>[vector<16xi32>], vector<16xf32>,
        %broadcast_in_dim3A_91 = arith.constant 2 : i32
        %broadcast_in_dim3A_92 = vector.broadcast %broadcast_in_dim3A_91 : i32 to vector<16xi32>
        tpu.vector_store_idx %arg5[%add3A_65, %broadcast_in_dim3A_92], %gather3A_90 : memref<4096x16xf32, #tpu.memory_space<vmem>>[vector<16xi32>, vector<16xi32>], vector<16xf32>,
        %broadcast_in_dim3A_93 = arith.constant 3 : i32
        %broadcast_in_dim3A_94 = vector.broadcast %broadcast_in_dim3A_93 : i32 to vector<16xi32>
        %broadcast_in_dim3A_95 = arith.constant -13.8629436 : f32
        %broadcast_in_dim3A_96 = vector.broadcast %broadcast_in_dim3A_95 : f32 to vector<16xf32>
        tpu.vector_store_idx %arg5[%add3A_65, %broadcast_in_dim3A_94], %broadcast_in_dim3A_96 : memref<4096x16xf32, #tpu.memory_space<vmem>>[vector<16xi32>, vector<16xi32>], vector<16xf32>,
        %scan3A_97 = arith.constant 0 : i32
        scf.yield %scan3A_97 : i32
      }
      %scan3A_22 = arith.constant 256 : i32
      "tpu.region"() ({
        %run_scoped3A = tpu.sem_alloc : memref<!tpu.dma_semaphore, #tpu.memory_space<semaphore_mem>>
        %dma_start3A = arith.constant 0 : i32
        %dma_start3A_24 = tpu.memref_slice %arg3[%add3A_13, %dma_start3A] : memref<1048576x16xf32, #tpu.memory_space<hbm>> -> memref<4096x16xf32, #tpu.memory_space<hbm>>
        %dma_start3A_25 = arith.constant 0 : i32
        %dma_start3A_26 = tpu.memref_slice %arg3[%add3A_13, %dma_start3A_25] : memref<1048576x16xf32, #tpu.memory_space<hbm>> -> memref<4096x16xf32, #tpu.memory_space<hbm>>
        tpu.enqueue_dma source(%arg5 : memref<4096x16xf32, #tpu.memory_space<vmem>>) target(%dma_start3A_26 : memref<4096x16xf32, #tpu.memory_space<hbm>>) target_semaphore(%run_scoped3A : memref<!tpu.dma_semaphore, #tpu.memory_space<semaphore_mem>>)
        %dma_wait3A = arith.constant 0 : i32
        %dma_wait3A_27 = tpu.memref_slice %arg3[%add3A_13, %dma_wait3A] : memref<1048576x16xf32, #tpu.memory_space<hbm>> -> memref<4096x16xf32, #tpu.memory_space<hbm>>
        %dma_wait3A_28 = arith.constant 0 : i32
        %dma_wait3A_29 = tpu.memref_slice %arg3[%add3A_13, %dma_wait3A_28] : memref<1048576x16xf32, #tpu.memory_space<hbm>> -> memref<4096x16xf32, #tpu.memory_space<hbm>>
        tpu.wait_dma2 semaphore(%run_scoped3A : memref<!tpu.dma_semaphore, #tpu.memory_space<semaphore_mem>>) src(%arg5 : memref<4096x16xf32, #tpu.memory_space<vmem>>) dst(%dma_wait3A_29 : memref<4096x16xf32, #tpu.memory_space<hbm>>)
        tpu.yield
      }) : () -> ()
      %scan3A_23 = arith.constant 0 : i32
      scf.yield %scan3A_23 : i32
    }
    %scan3A_6 = arith.constant 8 : i32
    return
  }
}

#map = affine_map<(d0, d1) -> (0)>
#map1 = affine_map<(d0, d1) -> (0, 0)>
module attributes {stable_mosaic.version = 14 : i64} {
  func.func @k(%arg0: i32, %arg1: i32, %arg2: memref<1048576xf32, #tpu.memory_space<hbm>>, %arg3: memref<65536x16xf32, #tpu.memory_space<hbm>>, %arg4: memref<65536xf32, #tpu.memory_space<hbm>>, %arg5: memref<1048576x16xf32, #tpu.memory_space<hbm>>, %arg6: memref<1048576x4xf32, #tpu.memory_space<hbm>>, %arg7: memref<65536xf32, #tpu.memory_space<vmem>>, %arg8: memref<1024xf32, #tpu.memory_space<vmem>>, %arg9: memref<1024xi32, #tpu.memory_space<vmem>>, %arg10: memref<1024x16xf32, #tpu.memory_space<vmem>>, %arg11: memref<1024xi32, #tpu.memory_space<vmem>>, %arg12: memref<1024x16xf32, #tpu.memory_space<vmem>>, %arg13: memref<1024x4xf32, #tpu.memory_space<vmem>>, %arg14: memref<!tpu.dma_semaphore, #tpu.memory_space<semaphore_mem>>) attributes {dimension_semantics = [#tpu.dimension_semantics<core_parallel>, #tpu.dimension_semantics<subcore_parallel>], iteration_bounds = array<i64: 2, 16>, scalar_prefetch = 0 : i64, scratch_operands = 8 : i64, tpu.core_type = #tpu.core_type<sc_vector_subcore>, window_params = [{transform_indices = #map}, {transform_indices = #map1}, {transform_indices = #map}, {transform_indices = #map1}, {transform_indices = #map1}]} {
    %mul3A = arith.constant 2 : i32
    %mul3A_0 = arith.muli %arg1, %mul3A : i32
    %add3A = arith.addi %mul3A_0, %arg0 : i32
    "tpu.region"() ({
      %run_scoped3A = tpu.sem_alloc : memref<!tpu.dma_semaphore, #tpu.memory_space<semaphore_mem>>
      tpu.enqueue_dma source(%arg4 : memref<65536xf32, #tpu.memory_space<hbm>>) target(%arg7 : memref<65536xf32, #tpu.memory_space<vmem>>) target_semaphore(%run_scoped3A : memref<!tpu.dma_semaphore, #tpu.memory_space<semaphore_mem>>)
      tpu.wait_dma2 semaphore(%run_scoped3A : memref<!tpu.dma_semaphore, #tpu.memory_space<semaphore_mem>>) src(%arg4 : memref<65536xf32, #tpu.memory_space<hbm>>) dst(%arg7 : memref<65536xf32, #tpu.memory_space<vmem>>)
      tpu.yield
    }) : () -> ()
    %iota3A = tpu.iota {dimensions = array<i32: 0>} : vector<16xi32>
    %scan3A = arith.constant 0 : i32
    %scan3A_1 = arith.constant 0 : i32
    %scan3A_2 = arith.constant 32 : i32
    %scan3A_3 = arith.addi %scan3A_1, %scan3A_2 : i32
    %scan3A_4 = arith.constant 1 : i32
    %scan3A_5 = scf.for %scan3A_7 = %scan3A_1 to %scan3A_3 step %scan3A_4 iter_args(%scan3A_8 = %scan3A) -> (i32)  : i32 {
      %mul3A_9 = arith.constant 32768 : i32
      %mul3A_10 = arith.muli %add3A, %mul3A_9 : i32
      %mul3A_11 = arith.constant 1024 : i32
      %mul3A_12 = arith.muli %scan3A_7, %mul3A_11 : i32
      %add3A_13 = arith.addi %mul3A_10, %mul3A_12 : i32
      "tpu.region"() ({
        %run_scoped3A = tpu.sem_alloc : memref<!tpu.dma_semaphore, #tpu.memory_space<semaphore_mem>>
        %dma_start3A_46 = tpu.memref_slice %arg2[%add3A_13] : memref<1048576xf32, #tpu.memory_space<hbm>> -> memref<1024xf32, #tpu.memory_space<hbm>>
        %dma_start3A_47 = tpu.memref_slice %arg2[%add3A_13] : memref<1048576xf32, #tpu.memory_space<hbm>> -> memref<1024xf32, #tpu.memory_space<hbm>>
        tpu.enqueue_dma source(%dma_start3A_47 : memref<1024xf32, #tpu.memory_space<hbm>>) target(%arg8 : memref<1024xf32, #tpu.memory_space<vmem>>) target_semaphore(%run_scoped3A : memref<!tpu.dma_semaphore, #tpu.memory_space<semaphore_mem>>)
        %dma_wait3A_48 = tpu.memref_slice %arg2[%add3A_13] : memref<1048576xf32, #tpu.memory_space<hbm>> -> memref<1024xf32, #tpu.memory_space<hbm>>
        %dma_wait3A_49 = tpu.memref_slice %arg2[%add3A_13] : memref<1048576xf32, #tpu.memory_space<hbm>> -> memref<1024xf32, #tpu.memory_space<hbm>>
        tpu.wait_dma2 semaphore(%run_scoped3A : memref<!tpu.dma_semaphore, #tpu.memory_space<semaphore_mem>>) src(%dma_wait3A_49 : memref<1024xf32, #tpu.memory_space<hbm>>) dst(%arg8 : memref<1024xf32, #tpu.memory_space<vmem>>)
        tpu.yield
      }) : () -> ()
      %scan3A_14 = arith.constant 0 : i32
      %scan3A_15 = arith.constant 0 : i32
      %scan3A_16 = arith.constant 64 : i32
      %scan3A_17 = arith.addi %scan3A_15, %scan3A_16 : i32
      %scan3A_18 = arith.constant 2 : i32
      %scan3A_19 = scf.for %scan3A_46 = %scan3A_15 to %scan3A_17 step %scan3A_18 iter_args(%scan3A_47 = %scan3A_14) -> (i32)  : i32 {
        %mul3A_48 = arith.constant 16 : i32
        %mul3A_49 = arith.muli %scan3A_46, %mul3A_48 : i32
        %get3A = arith.index_cast %mul3A_49 : i32 to index
        %get3A_50 = tpu.vector_load %arg8[%get3A] {strides = array<i32>} : memref<1024xf32, #tpu.memory_space<vmem>>, vector<16xf32>,
        %broadcast_in_dim3A = arith.constant 0 : i32
        %broadcast_in_dim3A_51 = vector.broadcast %broadcast_in_dim3A : i32 to vector<16xi32>
        %add3A_52 = arith.constant 32767 : i32
        %add3A_53 = vector.broadcast %add3A_52 : i32 to vector<16xi32>
        %add3A_54 = arith.addi %broadcast_in_dim3A_51, %add3A_53 : vector<16xi32>
        %gather3A = tpu.vector_load_idx %arg7[%add3A_54] : memref<65536xf32, #tpu.memory_space<vmem>>[vector<16xi32>], vector<16xf32>,
        %le3A = arith.cmpf ole, %gather3A, %get3A_50 : vector<16xf32>
        %add3A_55 = arith.constant 32768 : i32
        %add3A_56 = vector.broadcast %add3A_55 : i32 to vector<16xi32>
        %add3A_57 = arith.addi %broadcast_in_dim3A_51, %add3A_56 : vector<16xi32>
        %select_n3A = arith.select %le3A, %add3A_57, %broadcast_in_dim3A_51 : vector<16xi1>, vector<16xi32>
        %add3A_58 = arith.constant 16383 : i32
        %add3A_59 = vector.broadcast %add3A_58 : i32 to vector<16xi32>
        %add3A_60 = arith.addi %select_n3A, %add3A_59 : vector<16xi32>
        %gather3A_61 = tpu.vector_load_idx %arg7[%add3A_60] : memref<65536xf32, #tpu.memory_space<vmem>>[vector<16xi32>], vector<16xf32>,
        %le3A_62 = arith.cmpf ole, %gather3A_61, %get3A_50 : vector<16xf32>
        %add3A_63 = arith.constant 16384 : i32
        %add3A_64 = vector.broadcast %add3A_63 : i32 to vector<16xi32>
        %add3A_65 = arith.addi %select_n3A, %add3A_64 : vector<16xi32>
        %select_n3A_66 = arith.select %le3A_62, %add3A_65, %select_n3A : vector<16xi1>, vector<16xi32>
        %add3A_67 = arith.constant 8191 : i32
        %add3A_68 = vector.broadcast %add3A_67 : i32 to vector<16xi32>
        %add3A_69 = arith.addi %select_n3A_66, %add3A_68 : vector<16xi32>
        %gather3A_70 = tpu.vector_load_idx %arg7[%add3A_69] : memref<65536xf32, #tpu.memory_space<vmem>>[vector<16xi32>], vector<16xf32>,
        %le3A_71 = arith.cmpf ole, %gather3A_70, %get3A_50 : vector<16xf32>
        %add3A_72 = arith.constant 8192 : i32
        %add3A_73 = vector.broadcast %add3A_72 : i32 to vector<16xi32>
        %add3A_74 = arith.addi %select_n3A_66, %add3A_73 : vector<16xi32>
        %select_n3A_75 = arith.select %le3A_71, %add3A_74, %select_n3A_66 : vector<16xi1>, vector<16xi32>
        %add3A_76 = arith.constant 4095 : i32
        %add3A_77 = vector.broadcast %add3A_76 : i32 to vector<16xi32>
        %add3A_78 = arith.addi %select_n3A_75, %add3A_77 : vector<16xi32>
        %gather3A_79 = tpu.vector_load_idx %arg7[%add3A_78] : memref<65536xf32, #tpu.memory_space<vmem>>[vector<16xi32>], vector<16xf32>,
        %le3A_80 = arith.cmpf ole, %gather3A_79, %get3A_50 : vector<16xf32>
        %add3A_81 = arith.constant 4096 : i32
        %add3A_82 = vector.broadcast %add3A_81 : i32 to vector<16xi32>
        %add3A_83 = arith.addi %select_n3A_75, %add3A_82 : vector<16xi32>
        %select_n3A_84 = arith.select %le3A_80, %add3A_83, %select_n3A_75 : vector<16xi1>, vector<16xi32>
        %add3A_85 = arith.constant 2047 : i32
        %add3A_86 = vector.broadcast %add3A_85 : i32 to vector<16xi32>
        %add3A_87 = arith.addi %select_n3A_84, %add3A_86 : vector<16xi32>
        %gather3A_88 = tpu.vector_load_idx %arg7[%add3A_87] : memref<65536xf32, #tpu.memory_space<vmem>>[vector<16xi32>], vector<16xf32>,
        %le3A_89 = arith.cmpf ole, %gather3A_88, %get3A_50 : vector<16xf32>
        %add3A_90 = arith.constant 2048 : i32
        %add3A_91 = vector.broadcast %add3A_90 : i32 to vector<16xi32>
        %add3A_92 = arith.addi %select_n3A_84, %add3A_91 : vector<16xi32>
        %select_n3A_93 = arith.select %le3A_89, %add3A_92, %select_n3A_84 : vector<16xi1>, vector<16xi32>
        %add3A_94 = arith.constant 1023 : i32
        %add3A_95 = vector.broadcast %add3A_94 : i32 to vector<16xi32>
        %add3A_96 = arith.addi %select_n3A_93, %add3A_95 : vector<16xi32>
        %gather3A_97 = tpu.vector_load_idx %arg7[%add3A_96] : memref<65536xf32, #tpu.memory_space<vmem>>[vector<16xi32>], vector<16xf32>,
        %le3A_98 = arith.cmpf ole, %gather3A_97, %get3A_50 : vector<16xf32>
        %add3A_99 = arith.constant 1024 : i32
        %add3A_100 = vector.broadcast %add3A_99 : i32 to vector<16xi32>
        %add3A_101 = arith.addi %select_n3A_93, %add3A_100 : vector<16xi32>
        %select_n3A_102 = arith.select %le3A_98, %add3A_101, %select_n3A_93 : vector<16xi1>, vector<16xi32>
        %add3A_103 = arith.constant 511 : i32
        %add3A_104 = vector.broadcast %add3A_103 : i32 to vector<16xi32>
        %add3A_105 = arith.addi %select_n3A_102, %add3A_104 : vector<16xi32>
        %gather3A_106 = tpu.vector_load_idx %arg7[%add3A_105] : memref<65536xf32, #tpu.memory_space<vmem>>[vector<16xi32>], vector<16xf32>,
        %le3A_107 = arith.cmpf ole, %gather3A_106, %get3A_50 : vector<16xf32>
        %add3A_108 = arith.constant 512 : i32
        %add3A_109 = vector.broadcast %add3A_108 : i32 to vector<16xi32>
        %add3A_110 = arith.addi %select_n3A_102, %add3A_109 : vector<16xi32>
        %select_n3A_111 = arith.select %le3A_107, %add3A_110, %select_n3A_102 : vector<16xi1>, vector<16xi32>
        %add3A_112 = arith.constant 255 : i32
        %add3A_113 = vector.broadcast %add3A_112 : i32 to vector<16xi32>
        %add3A_114 = arith.addi %select_n3A_111, %add3A_113 : vector<16xi32>
        %gather3A_115 = tpu.vector_load_idx %arg7[%add3A_114] : memref<65536xf32, #tpu.memory_space<vmem>>[vector<16xi32>], vector<16xf32>,
        %le3A_116 = arith.cmpf ole, %gather3A_115, %get3A_50 : vector<16xf32>
        %add3A_117 = arith.constant 256 : i32
        %add3A_118 = vector.broadcast %add3A_117 : i32 to vector<16xi32>
        %add3A_119 = arith.addi %select_n3A_111, %add3A_118 : vector<16xi32>
        %select_n3A_120 = arith.select %le3A_116, %add3A_119, %select_n3A_111 : vector<16xi1>, vector<16xi32>
        %add3A_121 = arith.constant 127 : i32
        %add3A_122 = vector.broadcast %add3A_121 : i32 to vector<16xi32>
        %add3A_123 = arith.addi %select_n3A_120, %add3A_122 : vector<16xi32>
        %gather3A_124 = tpu.vector_load_idx %arg7[%add3A_123] : memref<65536xf32, #tpu.memory_space<vmem>>[vector<16xi32>], vector<16xf32>,
        %le3A_125 = arith.cmpf ole, %gather3A_124, %get3A_50 : vector<16xf32>
        %add3A_126 = arith.constant 128 : i32
        %add3A_127 = vector.broadcast %add3A_126 : i32 to vector<16xi32>
        %add3A_128 = arith.addi %select_n3A_120, %add3A_127 : vector<16xi32>
        %select_n3A_129 = arith.select %le3A_125, %add3A_128, %select_n3A_120 : vector<16xi1>, vector<16xi32>
        %add3A_130 = arith.constant 63 : i32
        %add3A_131 = vector.broadcast %add3A_130 : i32 to vector<16xi32>
        %add3A_132 = arith.addi %select_n3A_129, %add3A_131 : vector<16xi32>
        %gather3A_133 = tpu.vector_load_idx %arg7[%add3A_132] : memref<65536xf32, #tpu.memory_space<vmem>>[vector<16xi32>], vector<16xf32>,
        %le3A_134 = arith.cmpf ole, %gather3A_133, %get3A_50 : vector<16xf32>
        %add3A_135 = arith.constant 64 : i32
        %add3A_136 = vector.broadcast %add3A_135 : i32 to vector<16xi32>
        %add3A_137 = arith.addi %select_n3A_129, %add3A_136 : vector<16xi32>
        %select_n3A_138 = arith.select %le3A_134, %add3A_137, %select_n3A_129 : vector<16xi1>, vector<16xi32>
        %add3A_139 = arith.constant 31 : i32
        %add3A_140 = vector.broadcast %add3A_139 : i32 to vector<16xi32>
        %add3A_141 = arith.addi %select_n3A_138, %add3A_140 : vector<16xi32>
        %gather3A_142 = tpu.vector_load_idx %arg7[%add3A_141] : memref<65536xf32, #tpu.memory_space<vmem>>[vector<16xi32>], vector<16xf32>,
        %le3A_143 = arith.cmpf ole, %gather3A_142, %get3A_50 : vector<16xf32>
        %add3A_144 = arith.constant 32 : i32
        %add3A_145 = vector.broadcast %add3A_144 : i32 to vector<16xi32>
        %add3A_146 = arith.addi %select_n3A_138, %add3A_145 : vector<16xi32>
        %select_n3A_147 = arith.select %le3A_143, %add3A_146, %select_n3A_138 : vector<16xi1>, vector<16xi32>
        %add3A_148 = arith.constant 15 : i32
        %add3A_149 = vector.broadcast %add3A_148 : i32 to vector<16xi32>
        %add3A_150 = arith.addi %select_n3A_147, %add3A_149 : vector<16xi32>
        %gather3A_151 = tpu.vector_load_idx %arg7[%add3A_150] : memref<65536xf32, #tpu.memory_space<vmem>>[vector<16xi32>], vector<16xf32>,
        %le3A_152 = arith.cmpf ole, %gather3A_151, %get3A_50 : vector<16xf32>
        %add3A_153 = arith.constant 16 : i32
        %add3A_154 = vector.broadcast %add3A_153 : i32 to vector<16xi32>
        %add3A_155 = arith.addi %select_n3A_147, %add3A_154 : vector<16xi32>
        %select_n3A_156 = arith.select %le3A_152, %add3A_155, %select_n3A_147 : vector<16xi1>, vector<16xi32>
        %add3A_157 = arith.constant 7 : i32
        %add3A_158 = vector.broadcast %add3A_157 : i32 to vector<16xi32>
        %add3A_159 = arith.addi %select_n3A_156, %add3A_158 : vector<16xi32>
        %gather3A_160 = tpu.vector_load_idx %arg7[%add3A_159] : memref<65536xf32, #tpu.memory_space<vmem>>[vector<16xi32>], vector<16xf32>,
        %le3A_161 = arith.cmpf ole, %gather3A_160, %get3A_50 : vector<16xf32>
        %add3A_162 = arith.constant 8 : i32
        %add3A_163 = vector.broadcast %add3A_162 : i32 to vector<16xi32>
        %add3A_164 = arith.addi %select_n3A_156, %add3A_163 : vector<16xi32>
        %select_n3A_165 = arith.select %le3A_161, %add3A_164, %select_n3A_156 : vector<16xi1>, vector<16xi32>
        %add3A_166 = arith.constant 3 : i32
        %add3A_167 = vector.broadcast %add3A_166 : i32 to vector<16xi32>
        %add3A_168 = arith.addi %select_n3A_165, %add3A_167 : vector<16xi32>
        %gather3A_169 = tpu.vector_load_idx %arg7[%add3A_168] : memref<65536xf32, #tpu.memory_space<vmem>>[vector<16xi32>], vector<16xf32>,
        %le3A_170 = arith.cmpf ole, %gather3A_169, %get3A_50 : vector<16xf32>
        %add3A_171 = arith.constant 4 : i32
        %add3A_172 = vector.broadcast %add3A_171 : i32 to vector<16xi32>
        %add3A_173 = arith.addi %select_n3A_165, %add3A_172 : vector<16xi32>
        %select_n3A_174 = arith.select %le3A_170, %add3A_173, %select_n3A_165 : vector<16xi1>, vector<16xi32>
        %add3A_175 = arith.constant 1 : i32
        %add3A_176 = vector.broadcast %add3A_175 : i32 to vector<16xi32>
        %add3A_177 = arith.addi %select_n3A_174, %add3A_176 : vector<16xi32>
        %gather3A_178 = tpu.vector_load_idx %arg7[%add3A_177] : memref<65536xf32, #tpu.memory_space<vmem>>[vector<16xi32>], vector<16xf32>,
        %le3A_179 = arith.cmpf ole, %gather3A_178, %get3A_50 : vector<16xf32>
        %add3A_180 = arith.constant 2 : i32
        %add3A_181 = vector.broadcast %add3A_180 : i32 to vector<16xi32>
        %add3A_182 = arith.addi %select_n3A_174, %add3A_181 : vector<16xi32>
        %select_n3A_183 = arith.select %le3A_179, %add3A_182, %select_n3A_174 : vector<16xi1>, vector<16xi32>
        %add3A_184 = arith.constant 0 : i32
        %add3A_185 = vector.broadcast %add3A_184 : i32 to vector<16xi32>
        %add3A_186 = arith.addi %select_n3A_183, %add3A_185 : vector<16xi32>
        %gather3A_187 = tpu.vector_load_idx %arg7[%add3A_186] : memref<65536xf32, #tpu.memory_space<vmem>>[vector<16xi32>], vector<16xf32>,
        %le3A_188 = arith.cmpf ole, %gather3A_187, %get3A_50 : vector<16xf32>
        %add3A_189 = arith.constant 1 : i32
        %add3A_190 = vector.broadcast %add3A_189 : i32 to vector<16xi32>
        %add3A_191 = arith.addi %select_n3A_183, %add3A_190 : vector<16xi32>
        %select_n3A_192 = arith.select %le3A_188, %add3A_191, %select_n3A_183 : vector<16xi1>, vector<16xi32>
        %min3A = arith.constant 65535 : i32
        %min3A_193 = vector.broadcast %min3A : i32 to vector<16xi32>
        %min3A_194 = arith.minsi %select_n3A_192, %min3A_193 : vector<16xi32>
        %mul3A_195 = arith.constant 16 : i32
        %mul3A_196 = arith.muli %scan3A_46, %mul3A_195 : i32
        %swap3A = arith.index_cast %mul3A_196 : i32 to index
        %swap3A_197 = tpu.vector_load %arg9[%swap3A] {strides = array<i32>} : memref<1024xi32, #tpu.memory_space<vmem>>, vector<16xi32>,
        tpu.vector_store %arg9[%swap3A], %min3A_194 {strides = array<i32>} : memref<1024xi32, #tpu.memory_space<vmem>>, vector<16xi32>,
        %scan3A_198 = arith.constant 0 : i32
        %scan3A_199 = arith.constant 1 : i32
        %scan3A_200 = arith.addi %scan3A_46, %scan3A_199 : i32
        %mul3A_201 = arith.constant 16 : i32
        %mul3A_202 = arith.muli %scan3A_200, %mul3A_201 : i32
        %get3A_203 = arith.index_cast %mul3A_202 : i32 to index
        %get3A_204 = tpu.vector_load %arg8[%get3A_203] {strides = array<i32>} : memref<1024xf32, #tpu.memory_space<vmem>>, vector<16xf32>,
        %broadcast_in_dim3A_205 = arith.constant 0 : i32
        %broadcast_in_dim3A_206 = vector.broadcast %broadcast_in_dim3A_205 : i32 to vector<16xi32>
        %add3A_207 = arith.constant 32767 : i32
        %add3A_208 = vector.broadcast %add3A_207 : i32 to vector<16xi32>
        %add3A_209 = arith.addi %broadcast_in_dim3A_206, %add3A_208 : vector<16xi32>
        %gather3A_210 = tpu.vector_load_idx %arg7[%add3A_209] : memref<65536xf32, #tpu.memory_space<vmem>>[vector<16xi32>], vector<16xf32>,
        %le3A_211 = arith.cmpf ole, %gather3A_210, %get3A_204 : vector<16xf32>
        %add3A_212 = arith.constant 32768 : i32
        %add3A_213 = vector.broadcast %add3A_212 : i32 to vector<16xi32>
        %add3A_214 = arith.addi %broadcast_in_dim3A_206, %add3A_213 : vector<16xi32>
        %select_n3A_215 = arith.select %le3A_211, %add3A_214, %broadcast_in_dim3A_206 : vector<16xi1>, vector<16xi32>
        %add3A_216 = arith.constant 16383 : i32
        %add3A_217 = vector.broadcast %add3A_216 : i32 to vector<16xi32>
        %add3A_218 = arith.addi %select_n3A_215, %add3A_217 : vector<16xi32>
        %gather3A_219 = tpu.vector_load_idx %arg7[%add3A_218] : memref<65536xf32, #tpu.memory_space<vmem>>[vector<16xi32>], vector<16xf32>,
        %le3A_220 = arith.cmpf ole, %gather3A_219, %get3A_204 : vector<16xf32>
        %add3A_221 = arith.constant 16384 : i32
        %add3A_222 = vector.broadcast %add3A_221 : i32 to vector<16xi32>
        %add3A_223 = arith.addi %select_n3A_215, %add3A_222 : vector<16xi32>
        %select_n3A_224 = arith.select %le3A_220, %add3A_223, %select_n3A_215 : vector<16xi1>, vector<16xi32>
        %add3A_225 = arith.constant 8191 : i32
        %add3A_226 = vector.broadcast %add3A_225 : i32 to vector<16xi32>
        %add3A_227 = arith.addi %select_n3A_224, %add3A_226 : vector<16xi32>
        %gather3A_228 = tpu.vector_load_idx %arg7[%add3A_227] : memref<65536xf32, #tpu.memory_space<vmem>>[vector<16xi32>], vector<16xf32>,
        %le3A_229 = arith.cmpf ole, %gather3A_228, %get3A_204 : vector<16xf32>
        %add3A_230 = arith.constant 8192 : i32
        %add3A_231 = vector.broadcast %add3A_230 : i32 to vector<16xi32>
        %add3A_232 = arith.addi %select_n3A_224, %add3A_231 : vector<16xi32>
        %select_n3A_233 = arith.select %le3A_229, %add3A_232, %select_n3A_224 : vector<16xi1>, vector<16xi32>
        %add3A_234 = arith.constant 4095 : i32
        %add3A_235 = vector.broadcast %add3A_234 : i32 to vector<16xi32>
        %add3A_236 = arith.addi %select_n3A_233, %add3A_235 : vector<16xi32>
        %gather3A_237 = tpu.vector_load_idx %arg7[%add3A_236] : memref<65536xf32, #tpu.memory_space<vmem>>[vector<16xi32>], vector<16xf32>,
        %le3A_238 = arith.cmpf ole, %gather3A_237, %get3A_204 : vector<16xf32>
        %add3A_239 = arith.constant 4096 : i32
        %add3A_240 = vector.broadcast %add3A_239 : i32 to vector<16xi32>
        %add3A_241 = arith.addi %select_n3A_233, %add3A_240 : vector<16xi32>
        %select_n3A_242 = arith.select %le3A_238, %add3A_241, %select_n3A_233 : vector<16xi1>, vector<16xi32>
        %add3A_243 = arith.constant 2047 : i32
        %add3A_244 = vector.broadcast %add3A_243 : i32 to vector<16xi32>
        %add3A_245 = arith.addi %select_n3A_242, %add3A_244 : vector<16xi32>
        %gather3A_246 = tpu.vector_load_idx %arg7[%add3A_245] : memref<65536xf32, #tpu.memory_space<vmem>>[vector<16xi32>], vector<16xf32>,
        %le3A_247 = arith.cmpf ole, %gather3A_246, %get3A_204 : vector<16xf32>
        %add3A_248 = arith.constant 2048 : i32
        %add3A_249 = vector.broadcast %add3A_248 : i32 to vector<16xi32>
        %add3A_250 = arith.addi %select_n3A_242, %add3A_249 : vector<16xi32>
        %select_n3A_251 = arith.select %le3A_247, %add3A_250, %select_n3A_242 : vector<16xi1>, vector<16xi32>
        %add3A_252 = arith.constant 1023 : i32
        %add3A_253 = vector.broadcast %add3A_252 : i32 to vector<16xi32>
        %add3A_254 = arith.addi %select_n3A_251, %add3A_253 : vector<16xi32>
        %gather3A_255 = tpu.vector_load_idx %arg7[%add3A_254] : memref<65536xf32, #tpu.memory_space<vmem>>[vector<16xi32>], vector<16xf32>,
        %le3A_256 = arith.cmpf ole, %gather3A_255, %get3A_204 : vector<16xf32>
        %add3A_257 = arith.constant 1024 : i32
        %add3A_258 = vector.broadcast %add3A_257 : i32 to vector<16xi32>
        %add3A_259 = arith.addi %select_n3A_251, %add3A_258 : vector<16xi32>
        %select_n3A_260 = arith.select %le3A_256, %add3A_259, %select_n3A_251 : vector<16xi1>, vector<16xi32>
        %add3A_261 = arith.constant 511 : i32
        %add3A_262 = vector.broadcast %add3A_261 : i32 to vector<16xi32>
        %add3A_263 = arith.addi %select_n3A_260, %add3A_262 : vector<16xi32>
        %gather3A_264 = tpu.vector_load_idx %arg7[%add3A_263] : memref<65536xf32, #tpu.memory_space<vmem>>[vector<16xi32>], vector<16xf32>,
        %le3A_265 = arith.cmpf ole, %gather3A_264, %get3A_204 : vector<16xf32>
        %add3A_266 = arith.constant 512 : i32
        %add3A_267 = vector.broadcast %add3A_266 : i32 to vector<16xi32>
        %add3A_268 = arith.addi %select_n3A_260, %add3A_267 : vector<16xi32>
        %select_n3A_269 = arith.select %le3A_265, %add3A_268, %select_n3A_260 : vector<16xi1>, vector<16xi32>
        %add3A_270 = arith.constant 255 : i32
        %add3A_271 = vector.broadcast %add3A_270 : i32 to vector<16xi32>
        %add3A_272 = arith.addi %select_n3A_269, %add3A_271 : vector<16xi32>
        %gather3A_273 = tpu.vector_load_idx %arg7[%add3A_272] : memref<65536xf32, #tpu.memory_space<vmem>>[vector<16xi32>], vector<16xf32>,
        %le3A_274 = arith.cmpf ole, %gather3A_273, %get3A_204 : vector<16xf32>
        %add3A_275 = arith.constant 256 : i32
        %add3A_276 = vector.broadcast %add3A_275 : i32 to vector<16xi32>
        %add3A_277 = arith.addi %select_n3A_269, %add3A_276 : vector<16xi32>
        %select_n3A_278 = arith.select %le3A_274, %add3A_277, %select_n3A_269 : vector<16xi1>, vector<16xi32>
        %add3A_279 = arith.constant 127 : i32
        %add3A_280 = vector.broadcast %add3A_279 : i32 to vector<16xi32>
        %add3A_281 = arith.addi %select_n3A_278, %add3A_280 : vector<16xi32>
        %gather3A_282 = tpu.vector_load_idx %arg7[%add3A_281] : memref<65536xf32, #tpu.memory_space<vmem>>[vector<16xi32>], vector<16xf32>,
        %le3A_283 = arith.cmpf ole, %gather3A_282, %get3A_204 : vector<16xf32>
        %add3A_284 = arith.constant 128 : i32
        %add3A_285 = vector.broadcast %add3A_284 : i32 to vector<16xi32>
        %add3A_286 = arith.addi %select_n3A_278, %add3A_285 : vector<16xi32>
        %select_n3A_287 = arith.select %le3A_283, %add3A_286, %select_n3A_278 : vector<16xi1>, vector<16xi32>
        %add3A_288 = arith.constant 63 : i32
        %add3A_289 = vector.broadcast %add3A_288 : i32 to vector<16xi32>
        %add3A_290 = arith.addi %select_n3A_287, %add3A_289 : vector<16xi32>
        %gather3A_291 = tpu.vector_load_idx %arg7[%add3A_290] : memref<65536xf32, #tpu.memory_space<vmem>>[vector<16xi32>], vector<16xf32>,
        %le3A_292 = arith.cmpf ole, %gather3A_291, %get3A_204 : vector<16xf32>
        %add3A_293 = arith.constant 64 : i32
        %add3A_294 = vector.broadcast %add3A_293 : i32 to vector<16xi32>
        %add3A_295 = arith.addi %select_n3A_287, %add3A_294 : vector<16xi32>
        %select_n3A_296 = arith.select %le3A_292, %add3A_295, %select_n3A_287 : vector<16xi1>, vector<16xi32>
        %add3A_297 = arith.constant 31 : i32
        %add3A_298 = vector.broadcast %add3A_297 : i32 to vector<16xi32>
        %add3A_299 = arith.addi %select_n3A_296, %add3A_298 : vector<16xi32>
        %gather3A_300 = tpu.vector_load_idx %arg7[%add3A_299] : memref<65536xf32, #tpu.memory_space<vmem>>[vector<16xi32>], vector<16xf32>,
        %le3A_301 = arith.cmpf ole, %gather3A_300, %get3A_204 : vector<16xf32>
        %add3A_302 = arith.constant 32 : i32
        %add3A_303 = vector.broadcast %add3A_302 : i32 to vector<16xi32>
        %add3A_304 = arith.addi %select_n3A_296, %add3A_303 : vector<16xi32>
        %select_n3A_305 = arith.select %le3A_301, %add3A_304, %select_n3A_296 : vector<16xi1>, vector<16xi32>
        %add3A_306 = arith.constant 15 : i32
        %add3A_307 = vector.broadcast %add3A_306 : i32 to vector<16xi32>
        %add3A_308 = arith.addi %select_n3A_305, %add3A_307 : vector<16xi32>
        %gather3A_309 = tpu.vector_load_idx %arg7[%add3A_308] : memref<65536xf32, #tpu.memory_space<vmem>>[vector<16xi32>], vector<16xf32>,
        %le3A_310 = arith.cmpf ole, %gather3A_309, %get3A_204 : vector<16xf32>
        %add3A_311 = arith.constant 16 : i32
        %add3A_312 = vector.broadcast %add3A_311 : i32 to vector<16xi32>
        %add3A_313 = arith.addi %select_n3A_305, %add3A_312 : vector<16xi32>
        %select_n3A_314 = arith.select %le3A_310, %add3A_313, %select_n3A_305 : vector<16xi1>, vector<16xi32>
        %add3A_315 = arith.constant 7 : i32
        %add3A_316 = vector.broadcast %add3A_315 : i32 to vector<16xi32>
        %add3A_317 = arith.addi %select_n3A_314, %add3A_316 : vector<16xi32>
        %gather3A_318 = tpu.vector_load_idx %arg7[%add3A_317] : memref<65536xf32, #tpu.memory_space<vmem>>[vector<16xi32>], vector<16xf32>,
        %le3A_319 = arith.cmpf ole, %gather3A_318, %get3A_204 : vector<16xf32>
        %add3A_320 = arith.constant 8 : i32
        %add3A_321 = vector.broadcast %add3A_320 : i32 to vector<16xi32>
        %add3A_322 = arith.addi %select_n3A_314, %add3A_321 : vector<16xi32>
        %select_n3A_323 = arith.select %le3A_319, %add3A_322, %select_n3A_314 : vector<16xi1>, vector<16xi32>
        %add3A_324 = arith.constant 3 : i32
        %add3A_325 = vector.broadcast %add3A_324 : i32 to vector<16xi32>
        %add3A_326 = arith.addi %select_n3A_323, %add3A_325 : vector<16xi32>
        %gather3A_327 = tpu.vector_load_idx %arg7[%add3A_326] : memref<65536xf32, #tpu.memory_space<vmem>>[vector<16xi32>], vector<16xf32>,
        %le3A_328 = arith.cmpf ole, %gather3A_327, %get3A_204 : vector<16xf32>
        %add3A_329 = arith.constant 4 : i32
        %add3A_330 = vector.broadcast %add3A_329 : i32 to vector<16xi32>
        %add3A_331 = arith.addi %select_n3A_323, %add3A_330 : vector<16xi32>
        %select_n3A_332 = arith.select %le3A_328, %add3A_331, %select_n3A_323 : vector<16xi1>, vector<16xi32>
        %add3A_333 = arith.constant 1 : i32
        %add3A_334 = vector.broadcast %add3A_333 : i32 to vector<16xi32>
        %add3A_335 = arith.addi %select_n3A_332, %add3A_334 : vector<16xi32>
        %gather3A_336 = tpu.vector_load_idx %arg7[%add3A_335] : memref<65536xf32, #tpu.memory_space<vmem>>[vector<16xi32>], vector<16xf32>,
        %le3A_337 = arith.cmpf ole, %gather3A_336, %get3A_204 : vector<16xf32>
        %add3A_338 = arith.constant 2 : i32
        %add3A_339 = vector.broadcast %add3A_338 : i32 to vector<16xi32>
        %add3A_340 = arith.addi %select_n3A_332, %add3A_339 : vector<16xi32>
        %select_n3A_341 = arith.select %le3A_337, %add3A_340, %select_n3A_332 : vector<16xi1>, vector<16xi32>
        %add3A_342 = arith.constant 0 : i32
        %add3A_343 = vector.broadcast %add3A_342 : i32 to vector<16xi32>
        %add3A_344 = arith.addi %select_n3A_341, %add3A_343 : vector<16xi32>
        %gather3A_345 = tpu.vector_load_idx %arg7[%add3A_344] : memref<65536xf32, #tpu.memory_space<vmem>>[vector<16xi32>], vector<16xf32>,
        %le3A_346 = arith.cmpf ole, %gather3A_345, %get3A_204 : vector<16xf32>
        %add3A_347 = arith.constant 1 : i32
        %add3A_348 = vector.broadcast %add3A_347 : i32 to vector<16xi32>
        %add3A_349 = arith.addi %select_n3A_341, %add3A_348 : vector<16xi32>
        %select_n3A_350 = arith.select %le3A_346, %add3A_349, %select_n3A_341 : vector<16xi1>, vector<16xi32>
        %min3A_351 = arith.constant 65535 : i32
        %min3A_352 = vector.broadcast %min3A_351 : i32 to vector<16xi32>
        %min3A_353 = arith.minsi %select_n3A_350, %min3A_352 : vector<16xi32>
        %mul3A_354 = arith.constant 16 : i32
        %mul3A_355 = arith.muli %scan3A_200, %mul3A_354 : i32
        %swap3A_356 = arith.index_cast %mul3A_355 : i32 to index
        %swap3A_357 = tpu.vector_load %arg9[%swap3A_356] {strides = array<i32>} : memref<1024xi32, #tpu.memory_space<vmem>>, vector<16xi32>,
        tpu.vector_store %arg9[%swap3A_356], %min3A_353 {strides = array<i32>} : memref<1024xi32, #tpu.memory_space<vmem>>, vector<16xi32>,
        %scan3A_358 = arith.constant 0 : i32
        scf.yield %scan3A_358 : i32
      }
      %scan3A_20 = arith.constant 64 : i32
      %dma_start3A = arith.constant 0 : i32
      %dma_start3A_21 = arith.constant 0 : i32
      %dma_start3A_22 = tpu.memref_slice %arg3[%dma_start3A, %dma_start3A_21] : memref<65536x16xf32, #tpu.memory_space<hbm>> -> memref<65536x16xf32, #tpu.memory_space<hbm>>
      tpu.enqueue_indirect_dma source(%dma_start3A_22 : memref<65536x16xf32, #tpu.memory_space<hbm>>) target(%arg10 : memref<1024x16xf32, #tpu.memory_space<vmem>>) offsets(%arg9 : memref<1024xi32, #tpu.memory_space<vmem>>) semaphore(%arg14 : memref<!tpu.dma_semaphore, #tpu.memory_space<semaphore_mem>>)
      %dma_wait3A = arith.constant 0 : i32
      %dma_wait3A_23 = arith.constant 0 : i32
      %dma_wait3A_24 = tpu.memref_slice %arg3[%dma_wait3A, %dma_wait3A_23] : memref<65536x16xf32, #tpu.memory_space<hbm>> -> memref<65536x16xf32, #tpu.memory_space<hbm>>
      tpu.wait_indirect_dma semaphore(%arg14 : memref<!tpu.dma_semaphore, #tpu.memory_space<semaphore_mem>>) src(%dma_wait3A_24 : memref<65536x16xf32, #tpu.memory_space<hbm>>) dst(%arg10 : memref<1024x16xf32, #tpu.memory_space<vmem>>)
      %scan3A_25 = arith.constant 0 : i32
      %scan3A_26 = arith.constant 0 : i32
      %scan3A_27 = arith.constant 64 : i32
      %scan3A_28 = arith.addi %scan3A_26, %scan3A_27 : i32
      %scan3A_29 = arith.constant 2 : i32
      %scan3A_30 = scf.for %scan3A_46 = %scan3A_26 to %scan3A_28 step %scan3A_29 iter_args(%scan3A_47 = %scan3A_25) -> (i32)  : i32 {
        %mul3A_48 = arith.constant 16 : i32
        %mul3A_49 = arith.muli %scan3A_46, %mul3A_48 : i32
        %get3A = arith.index_cast %mul3A_49 : i32 to index
        %get3A_50 = tpu.vector_load %arg8[%get3A] {strides = array<i32>} : memref<1024xf32, #tpu.memory_space<vmem>>, vector<16xf32>,
        %mul3A_51 = arith.constant 16 : i32
        %mul3A_52 = arith.muli %scan3A_46, %mul3A_51 : i32
        %get3A_53 = arith.index_cast %mul3A_52 : i32 to index
        %get3A_54 = tpu.vector_load %arg9[%get3A_53] {strides = array<i32>} : memref<1024xi32, #tpu.memory_space<vmem>>, vector<16xi32>,
        %mul3A_55 = arith.constant 16 : i32
        %mul3A_56 = arith.muli %scan3A_46, %mul3A_55 : i32
        %add3A_57 = vector.broadcast %mul3A_56 : i32 to vector<16xi32>
        %add3A_58 = arith.addi %add3A_57, %iota3A : vector<16xi32>
        %broadcast_in_dim3A = arith.constant 0 : i32
        %broadcast_in_dim3A_59 = vector.broadcast %broadcast_in_dim3A : i32 to vector<16xi32>
        %add3A_60 = arith.constant 7 : i32
        %add3A_61 = vector.broadcast %add3A_60 : i32 to vector<16xi32>
        %add3A_62 = arith.addi %broadcast_in_dim3A_59, %add3A_61 : vector<16xi32>
        %gather3A = tpu.vector_load_idx %arg10[%add3A_58, %add3A_62] : memref<1024x16xf32, #tpu.memory_space<vmem>>[vector<16xi32>, vector<16xi32>], vector<16xf32>,
        %le3A = arith.cmpf ole, %gather3A, %get3A_50 : vector<16xf32>
        %add3A_63 = arith.constant 8 : i32
        %add3A_64 = vector.broadcast %add3A_63 : i32 to vector<16xi32>
        %add3A_65 = arith.addi %broadcast_in_dim3A_59, %add3A_64 : vector<16xi32>
        %select_n3A = arith.select %le3A, %add3A_65, %broadcast_in_dim3A_59 : vector<16xi1>, vector<16xi32>
        %add3A_66 = arith.constant 3 : i32
        %add3A_67 = vector.broadcast %add3A_66 : i32 to vector<16xi32>
        %add3A_68 = arith.addi %select_n3A, %add3A_67 : vector<16xi32>
        %gather3A_69 = tpu.vector_load_idx %arg10[%add3A_58, %add3A_68] : memref<1024x16xf32, #tpu.memory_space<vmem>>[vector<16xi32>, vector<16xi32>], vector<16xf32>,
        %le3A_70 = arith.cmpf ole, %gather3A_69, %get3A_50 : vector<16xf32>
        %add3A_71 = arith.constant 4 : i32
        %add3A_72 = vector.broadcast %add3A_71 : i32 to vector<16xi32>
        %add3A_73 = arith.addi %select_n3A, %add3A_72 : vector<16xi32>
        %select_n3A_74 = arith.select %le3A_70, %add3A_73, %select_n3A : vector<16xi1>, vector<16xi32>
        %add3A_75 = arith.constant 1 : i32
        %add3A_76 = vector.broadcast %add3A_75 : i32 to vector<16xi32>
        %add3A_77 = arith.addi %select_n3A_74, %add3A_76 : vector<16xi32>
        %gather3A_78 = tpu.vector_load_idx %arg10[%add3A_58, %add3A_77] : memref<1024x16xf32, #tpu.memory_space<vmem>>[vector<16xi32>, vector<16xi32>], vector<16xf32>,
        %le3A_79 = arith.cmpf ole, %gather3A_78, %get3A_50 : vector<16xf32>
        %add3A_80 = arith.constant 2 : i32
        %add3A_81 = vector.broadcast %add3A_80 : i32 to vector<16xi32>
        %add3A_82 = arith.addi %select_n3A_74, %add3A_81 : vector<16xi32>
        %select_n3A_83 = arith.select %le3A_79, %add3A_82, %select_n3A_74 : vector<16xi1>, vector<16xi32>
        %add3A_84 = arith.constant 0 : i32
        %add3A_85 = vector.broadcast %add3A_84 : i32 to vector<16xi32>
        %add3A_86 = arith.addi %select_n3A_83, %add3A_85 : vector<16xi32>
        %gather3A_87 = tpu.vector_load_idx %arg10[%add3A_58, %add3A_86] : memref<1024x16xf32, #tpu.memory_space<vmem>>[vector<16xi32>, vector<16xi32>], vector<16xf32>,
        %le3A_88 = arith.cmpf ole, %gather3A_87, %get3A_50 : vector<16xf32>
        %add3A_89 = arith.constant 1 : i32
        %add3A_90 = vector.broadcast %add3A_89 : i32 to vector<16xi32>
        %add3A_91 = arith.addi %select_n3A_83, %add3A_90 : vector<16xi32>
        %select_n3A_92 = arith.select %le3A_88, %add3A_91, %select_n3A_83 : vector<16xi1>, vector<16xi32>
        %gather3A_93 = tpu.vector_load_idx %arg10[%add3A_58, %select_n3A_92] : memref<1024x16xf32, #tpu.memory_space<vmem>>[vector<16xi32>, vector<16xi32>], vector<16xf32>,
        %le3A_94 = arith.cmpf ole, %gather3A_93, %get3A_50 : vector<16xf32>
        %jit3A = arith.constant 1 : i32
        %jit3A_95 = arith.constant 0 : i32
        %broadcast_in_dim3A_96 = vector.broadcast %jit3A : i32 to vector<16xi32>
        %broadcast_in_dim3A_97 = vector.broadcast %jit3A_95 : i32 to vector<16xi32>
        %select_n3A_98 = arith.select %le3A_94, %broadcast_in_dim3A_96, %broadcast_in_dim3A_97 : vector<16xi1>, vector<16xi32>
        %add3A_99 = arith.addi %select_n3A_92, %select_n3A_98 : vector<16xi32>
        %mul3A_100 = arith.constant 16 : i32
        %mul3A_101 = vector.broadcast %mul3A_100 : i32 to vector<16xi32>
        %mul3A_102 = arith.muli %get3A_54, %mul3A_101 : vector<16xi32>
        %add3A_103 = arith.addi %mul3A_102, %add3A_99 : vector<16xi32>
        %min3A = arith.constant 1048575 : i32
        %min3A_104 = vector.broadcast %min3A : i32 to vector<16xi32>
        %min3A_105 = arith.minsi %add3A_103, %min3A_104 : vector<16xi32>
        %mul3A_106 = arith.constant 16 : i32
        %mul3A_107 = arith.muli %scan3A_46, %mul3A_106 : i32
        %swap3A = arith.index_cast %mul3A_107 : i32 to index
        %swap3A_108 = tpu.vector_load %arg11[%swap3A] {strides = array<i32>} : memref<1024xi32, #tpu.memory_space<vmem>>, vector<16xi32>,
        tpu.vector_store %arg11[%swap3A], %min3A_105 {strides = array<i32>} : memref<1024xi32, #tpu.memory_space<vmem>>, vector<16xi32>,
        %scan3A_109 = arith.constant 0 : i32
        %scan3A_110 = arith.constant 1 : i32
        %scan3A_111 = arith.addi %scan3A_46, %scan3A_110 : i32
        %mul3A_112 = arith.constant 16 : i32
        %mul3A_113 = arith.muli %scan3A_111, %mul3A_112 : i32
        %get3A_114 = arith.index_cast %mul3A_113 : i32 to index
        %get3A_115 = tpu.vector_load %arg8[%get3A_114] {strides = array<i32>} : memref<1024xf32, #tpu.memory_space<vmem>>, vector<16xf32>,
        %mul3A_116 = arith.constant 16 : i32
        %mul3A_117 = arith.muli %scan3A_111, %mul3A_116 : i32
        %get3A_118 = arith.index_cast %mul3A_117 : i32 to index
        %get3A_119 = tpu.vector_load %arg9[%get3A_118] {strides = array<i32>} : memref<1024xi32, #tpu.memory_space<vmem>>, vector<16xi32>,
        %mul3A_120 = arith.constant 16 : i32
        %mul3A_121 = arith.muli %scan3A_111, %mul3A_120 : i32
        %add3A_122 = vector.broadcast %mul3A_121 : i32 to vector<16xi32>
        %add3A_123 = arith.addi %add3A_122, %iota3A : vector<16xi32>
        %broadcast_in_dim3A_124 = arith.constant 0 : i32
        %broadcast_in_dim3A_125 = vector.broadcast %broadcast_in_dim3A_124 : i32 to vector<16xi32>
        %add3A_126 = arith.constant 7 : i32
        %add3A_127 = vector.broadcast %add3A_126 : i32 to vector<16xi32>
        %add3A_128 = arith.addi %broadcast_in_dim3A_125, %add3A_127 : vector<16xi32>
        %gather3A_129 = tpu.vector_load_idx %arg10[%add3A_123, %add3A_128] : memref<1024x16xf32, #tpu.memory_space<vmem>>[vector<16xi32>, vector<16xi32>], vector<16xf32>,
        %le3A_130 = arith.cmpf ole, %gather3A_129, %get3A_115 : vector<16xf32>
        %add3A_131 = arith.constant 8 : i32
        %add3A_132 = vector.broadcast %add3A_131 : i32 to vector<16xi32>
        %add3A_133 = arith.addi %broadcast_in_dim3A_125, %add3A_132 : vector<16xi32>
        %select_n3A_134 = arith.select %le3A_130, %add3A_133, %broadcast_in_dim3A_125 : vector<16xi1>, vector<16xi32>
        %add3A_135 = arith.constant 3 : i32
        %add3A_136 = vector.broadcast %add3A_135 : i32 to vector<16xi32>
        %add3A_137 = arith.addi %select_n3A_134, %add3A_136 : vector<16xi32>
        %gather3A_138 = tpu.vector_load_idx %arg10[%add3A_123, %add3A_137] : memref<1024x16xf32, #tpu.memory_space<vmem>>[vector<16xi32>, vector<16xi32>], vector<16xf32>,
        %le3A_139 = arith.cmpf ole, %gather3A_138, %get3A_115 : vector<16xf32>
        %add3A_140 = arith.constant 4 : i32
        %add3A_141 = vector.broadcast %add3A_140 : i32 to vector<16xi32>
        %add3A_142 = arith.addi %select_n3A_134, %add3A_141 : vector<16xi32>
        %select_n3A_143 = arith.select %le3A_139, %add3A_142, %select_n3A_134 : vector<16xi1>, vector<16xi32>
        %add3A_144 = arith.constant 1 : i32
        %add3A_145 = vector.broadcast %add3A_144 : i32 to vector<16xi32>
        %add3A_146 = arith.addi %select_n3A_143, %add3A_145 : vector<16xi32>
        %gather3A_147 = tpu.vector_load_idx %arg10[%add3A_123, %add3A_146] : memref<1024x16xf32, #tpu.memory_space<vmem>>[vector<16xi32>, vector<16xi32>], vector<16xf32>,
        %le3A_148 = arith.cmpf ole, %gather3A_147, %get3A_115 : vector<16xf32>
        %add3A_149 = arith.constant 2 : i32
        %add3A_150 = vector.broadcast %add3A_149 : i32 to vector<16xi32>
        %add3A_151 = arith.addi %select_n3A_143, %add3A_150 : vector<16xi32>
        %select_n3A_152 = arith.select %le3A_148, %add3A_151, %select_n3A_143 : vector<16xi1>, vector<16xi32>
        %add3A_153 = arith.constant 0 : i32
        %add3A_154 = vector.broadcast %add3A_153 : i32 to vector<16xi32>
        %add3A_155 = arith.addi %select_n3A_152, %add3A_154 : vector<16xi32>
        %gather3A_156 = tpu.vector_load_idx %arg10[%add3A_123, %add3A_155] : memref<1024x16xf32, #tpu.memory_space<vmem>>[vector<16xi32>, vector<16xi32>], vector<16xf32>,
        %le3A_157 = arith.cmpf ole, %gather3A_156, %get3A_115 : vector<16xf32>
        %add3A_158 = arith.constant 1 : i32
        %add3A_159 = vector.broadcast %add3A_158 : i32 to vector<16xi32>
        %add3A_160 = arith.addi %select_n3A_152, %add3A_159 : vector<16xi32>
        %select_n3A_161 = arith.select %le3A_157, %add3A_160, %select_n3A_152 : vector<16xi1>, vector<16xi32>
        %gather3A_162 = tpu.vector_load_idx %arg10[%add3A_123, %select_n3A_161] : memref<1024x16xf32, #tpu.memory_space<vmem>>[vector<16xi32>, vector<16xi32>], vector<16xf32>,
        %le3A_163 = arith.cmpf ole, %gather3A_162, %get3A_115 : vector<16xf32>
        %jit3A_164 = arith.constant 1 : i32
        %jit3A_165 = arith.constant 0 : i32
        %broadcast_in_dim3A_166 = vector.broadcast %jit3A_164 : i32 to vector<16xi32>
        %broadcast_in_dim3A_167 = vector.broadcast %jit3A_165 : i32 to vector<16xi32>
        %select_n3A_168 = arith.select %le3A_163, %broadcast_in_dim3A_166, %broadcast_in_dim3A_167 : vector<16xi1>, vector<16xi32>
        %add3A_169 = arith.addi %select_n3A_161, %select_n3A_168 : vector<16xi32>
        %mul3A_170 = arith.constant 16 : i32
        %mul3A_171 = vector.broadcast %mul3A_170 : i32 to vector<16xi32>
        %mul3A_172 = arith.muli %get3A_119, %mul3A_171 : vector<16xi32>
        %add3A_173 = arith.addi %mul3A_172, %add3A_169 : vector<16xi32>
        %min3A_174 = arith.constant 1048575 : i32
        %min3A_175 = vector.broadcast %min3A_174 : i32 to vector<16xi32>
        %min3A_176 = arith.minsi %add3A_173, %min3A_175 : vector<16xi32>
        %mul3A_177 = arith.constant 16 : i32
        %mul3A_178 = arith.muli %scan3A_111, %mul3A_177 : i32
        %swap3A_179 = arith.index_cast %mul3A_178 : i32 to index
        %swap3A_180 = tpu.vector_load %arg11[%swap3A_179] {strides = array<i32>} : memref<1024xi32, #tpu.memory_space<vmem>>, vector<16xi32>,
        tpu.vector_store %arg11[%swap3A_179], %min3A_176 {strides = array<i32>} : memref<1024xi32, #tpu.memory_space<vmem>>, vector<16xi32>,
        %scan3A_181 = arith.constant 0 : i32
        scf.yield %scan3A_181 : i32
      }
      %scan3A_31 = arith.constant 64 : i32
      %dma_start3A_32 = arith.constant 0 : i32
      %dma_start3A_33 = arith.constant 0 : i32
      %dma_start3A_34 = tpu.memref_slice %arg5[%dma_start3A_32, %dma_start3A_33] : memref<1048576x16xf32, #tpu.memory_space<hbm>> -> memref<1048576x16xf32, #tpu.memory_space<hbm>>
      tpu.enqueue_indirect_dma source(%dma_start3A_34 : memref<1048576x16xf32, #tpu.memory_space<hbm>>) target(%arg12 : memref<1024x16xf32, #tpu.memory_space<vmem>>) offsets(%arg11 : memref<1024xi32, #tpu.memory_space<vmem>>) semaphore(%arg14 : memref<!tpu.dma_semaphore, #tpu.memory_space<semaphore_mem>>)
      %dma_wait3A_35 = arith.constant 0 : i32
      %dma_wait3A_36 = arith.constant 0 : i32
      %dma_wait3A_37 = tpu.memref_slice %arg5[%dma_wait3A_35, %dma_wait3A_36] : memref<1048576x16xf32, #tpu.memory_space<hbm>> -> memref<1048576x16xf32, #tpu.memory_space<hbm>>
      tpu.wait_indirect_dma semaphore(%arg14 : memref<!tpu.dma_semaphore, #tpu.memory_space<semaphore_mem>>) src(%dma_wait3A_37 : memref<1048576x16xf32, #tpu.memory_space<hbm>>) dst(%arg12 : memref<1024x16xf32, #tpu.memory_space<vmem>>)
      %scan3A_38 = arith.constant 0 : i32
      %scan3A_39 = arith.constant 0 : i32
      %scan3A_40 = arith.constant 64 : i32
      %scan3A_41 = arith.addi %scan3A_39, %scan3A_40 : i32
      %scan3A_42 = arith.constant 2 : i32
      %scan3A_43 = scf.for %scan3A_46 = %scan3A_39 to %scan3A_41 step %scan3A_42 iter_args(%scan3A_47 = %scan3A_38) -> (i32)  : i32 {
        %mul3A_48 = arith.constant 16 : i32
        %mul3A_49 = arith.muli %scan3A_46, %mul3A_48 : i32
        %add3A_50 = vector.broadcast %mul3A_49 : i32 to vector<16xi32>
        %add3A_51 = arith.addi %add3A_50, %iota3A : vector<16xi32>
        %broadcast_in_dim3A = arith.constant 0 : i32
        %broadcast_in_dim3A_52 = vector.broadcast %broadcast_in_dim3A : i32 to vector<16xi32>
        %gather3A = tpu.vector_load_idx %arg12[%add3A_51, %broadcast_in_dim3A_52] : memref<1024x16xf32, #tpu.memory_space<vmem>>[vector<16xi32>, vector<16xi32>], vector<16xf32>,
        tpu.vector_store_idx %arg13[%add3A_51, %broadcast_in_dim3A_52], %gather3A : memref<1024x4xf32, #tpu.memory_space<vmem>>[vector<16xi32>, vector<16xi32>], vector<16xf32>,
        %broadcast_in_dim3A_53 = arith.constant 1 : i32
        %broadcast_in_dim3A_54 = vector.broadcast %broadcast_in_dim3A_53 : i32 to vector<16xi32>
        %gather3A_55 = tpu.vector_load_idx %arg12[%add3A_51, %broadcast_in_dim3A_54] : memref<1024x16xf32, #tpu.memory_space<vmem>>[vector<16xi32>, vector<16xi32>], vector<16xf32>,
        tpu.vector_store_idx %arg13[%add3A_51, %broadcast_in_dim3A_54], %gather3A_55 : memref<1024x4xf32, #tpu.memory_space<vmem>>[vector<16xi32>, vector<16xi32>], vector<16xf32>,
        %broadcast_in_dim3A_56 = arith.constant 2 : i32
        %broadcast_in_dim3A_57 = vector.broadcast %broadcast_in_dim3A_56 : i32 to vector<16xi32>
        %gather3A_58 = tpu.vector_load_idx %arg12[%add3A_51, %broadcast_in_dim3A_57] : memref<1024x16xf32, #tpu.memory_space<vmem>>[vector<16xi32>, vector<16xi32>], vector<16xf32>,
        tpu.vector_store_idx %arg13[%add3A_51, %broadcast_in_dim3A_57], %gather3A_58 : memref<1024x4xf32, #tpu.memory_space<vmem>>[vector<16xi32>, vector<16xi32>], vector<16xf32>,
        %broadcast_in_dim3A_59 = arith.constant 3 : i32
        %broadcast_in_dim3A_60 = vector.broadcast %broadcast_in_dim3A_59 : i32 to vector<16xi32>
        %gather3A_61 = tpu.vector_load_idx %arg12[%add3A_51, %broadcast_in_dim3A_60] : memref<1024x16xf32, #tpu.memory_space<vmem>>[vector<16xi32>, vector<16xi32>], vector<16xf32>,
        tpu.vector_store_idx %arg13[%add3A_51, %broadcast_in_dim3A_60], %gather3A_61 : memref<1024x4xf32, #tpu.memory_space<vmem>>[vector<16xi32>, vector<16xi32>], vector<16xf32>,
        %scan3A_62 = arith.constant 0 : i32
        %scan3A_63 = arith.constant 1 : i32
        %scan3A_64 = arith.addi %scan3A_46, %scan3A_63 : i32
        %mul3A_65 = arith.constant 16 : i32
        %mul3A_66 = arith.muli %scan3A_64, %mul3A_65 : i32
        %add3A_67 = vector.broadcast %mul3A_66 : i32 to vector<16xi32>
        %add3A_68 = arith.addi %add3A_67, %iota3A : vector<16xi32>
        %broadcast_in_dim3A_69 = arith.constant 0 : i32
        %broadcast_in_dim3A_70 = vector.broadcast %broadcast_in_dim3A_69 : i32 to vector<16xi32>
        %gather3A_71 = tpu.vector_load_idx %arg12[%add3A_68, %broadcast_in_dim3A_70] : memref<1024x16xf32, #tpu.memory_space<vmem>>[vector<16xi32>, vector<16xi32>], vector<16xf32>,
        tpu.vector_store_idx %arg13[%add3A_68, %broadcast_in_dim3A_70], %gather3A_71 : memref<1024x4xf32, #tpu.memory_space<vmem>>[vector<16xi32>, vector<16xi32>], vector<16xf32>,
        %broadcast_in_dim3A_72 = arith.constant 1 : i32
        %broadcast_in_dim3A_73 = vector.broadcast %broadcast_in_dim3A_72 : i32 to vector<16xi32>
        %gather3A_74 = tpu.vector_load_idx %arg12[%add3A_68, %broadcast_in_dim3A_73] : memref<1024x16xf32, #tpu.memory_space<vmem>>[vector<16xi32>, vector<16xi32>], vector<16xf32>,
        tpu.vector_store_idx %arg13[%add3A_68, %broadcast_in_dim3A_73], %gather3A_74 : memref<1024x4xf32, #tpu.memory_space<vmem>>[vector<16xi32>, vector<16xi32>], vector<16xf32>,
        %broadcast_in_dim3A_75 = arith.constant 2 : i32
        %broadcast_in_dim3A_76 = vector.broadcast %broadcast_in_dim3A_75 : i32 to vector<16xi32>
        %gather3A_77 = tpu.vector_load_idx %arg12[%add3A_68, %broadcast_in_dim3A_76] : memref<1024x16xf32, #tpu.memory_space<vmem>>[vector<16xi32>, vector<16xi32>], vector<16xf32>,
        tpu.vector_store_idx %arg13[%add3A_68, %broadcast_in_dim3A_76], %gather3A_77 : memref<1024x4xf32, #tpu.memory_space<vmem>>[vector<16xi32>, vector<16xi32>], vector<16xf32>,
        %broadcast_in_dim3A_78 = arith.constant 3 : i32
        %broadcast_in_dim3A_79 = vector.broadcast %broadcast_in_dim3A_78 : i32 to vector<16xi32>
        %gather3A_80 = tpu.vector_load_idx %arg12[%add3A_68, %broadcast_in_dim3A_79] : memref<1024x16xf32, #tpu.memory_space<vmem>>[vector<16xi32>, vector<16xi32>], vector<16xf32>,
        tpu.vector_store_idx %arg13[%add3A_68, %broadcast_in_dim3A_79], %gather3A_80 : memref<1024x4xf32, #tpu.memory_space<vmem>>[vector<16xi32>, vector<16xi32>], vector<16xf32>,
        %scan3A_81 = arith.constant 0 : i32
        scf.yield %scan3A_81 : i32
      }
      %scan3A_44 = arith.constant 64 : i32
      "tpu.region"() ({
        %run_scoped3A = tpu.sem_alloc : memref<!tpu.dma_semaphore, #tpu.memory_space<semaphore_mem>>
        %dma_start3A_46 = arith.constant 0 : i32
        %dma_start3A_47 = tpu.memref_slice %arg6[%add3A_13, %dma_start3A_46] : memref<1048576x4xf32, #tpu.memory_space<hbm>> -> memref<1024x4xf32, #tpu.memory_space<hbm>>
        %dma_start3A_48 = arith.constant 0 : i32
        %dma_start3A_49 = tpu.memref_slice %arg6[%add3A_13, %dma_start3A_48] : memref<1048576x4xf32, #tpu.memory_space<hbm>> -> memref<1024x4xf32, #tpu.memory_space<hbm>>
        tpu.enqueue_dma source(%arg13 : memref<1024x4xf32, #tpu.memory_space<vmem>>) target(%dma_start3A_49 : memref<1024x4xf32, #tpu.memory_space<hbm>>) target_semaphore(%run_scoped3A : memref<!tpu.dma_semaphore, #tpu.memory_space<semaphore_mem>>)
        %dma_wait3A_50 = arith.constant 0 : i32
        %dma_wait3A_51 = tpu.memref_slice %arg6[%add3A_13, %dma_wait3A_50] : memref<1048576x4xf32, #tpu.memory_space<hbm>> -> memref<1024x4xf32, #tpu.memory_space<hbm>>
        %dma_wait3A_52 = arith.constant 0 : i32
        %dma_wait3A_53 = tpu.memref_slice %arg6[%add3A_13, %dma_wait3A_52] : memref<1048576x4xf32, #tpu.memory_space<hbm>> -> memref<1024x4xf32, #tpu.memory_space<hbm>>
        tpu.wait_dma2 semaphore(%run_scoped3A : memref<!tpu.dma_semaphore, #tpu.memory_space<semaphore_mem>>) src(%arg13 : memref<1024x4xf32, #tpu.memory_space<vmem>>) dst(%dma_wait3A_53 : memref<1024x4xf32, #tpu.memory_space<hbm>>)
        tpu.yield
      }) : () -> ()
      %scan3A_45 = arith.constant 0 : i32
      scf.yield %scan3A_45 : i32
    }
    %scan3A_6 = arith.constant 32 : i32
    return
  }
}

module attributes {stable_mosaic.version = 14 : i64} {
  func.func @_dense_body(%arg0: i32, %arg1: memref<32x2xf32, #tpu.memory_space<vmem>>, %arg2: memref<1x2xf32, #tpu.memory_space<vmem>>, %arg3: memref<3x4096xf32, #tpu.memory_space<vmem>>, %arg4: memref<1x4096xf32, #tpu.memory_space<vmem>>, %arg5: memref<1x1x4096xf32, #tpu.memory_space<vmem>>, %arg6: memref<1x1xf32, #tpu.memory_space<smem>>) attributes {dimension_semantics = [#tpu.dimension_semantics<arbitrary>], iteration_bounds = array<i64: 256>, scalar_prefetch = 0 : i64, scratch_operands = 0 : i64, tpu.core_type = #tpu.core_type<tc>, window_params = [{pipeline_mode = #tpu.pipeline_mode<synchronous>, transform_indices = @transform_0, window_bounds = array<i64: 32, 2>}, {pipeline_mode = #tpu.pipeline_mode<synchronous>, transform_indices = @transform_1, window_bounds = array<i64: 1, 2>}, {transform_indices = @transform_2, window_bounds = array<i64: 3, 4096>}, {transform_indices = @transform_3, window_bounds = array<i64: 1, 4096>}, {transform_indices = @transform_4, window_bounds = array<i64: 1, 1, 4096>}, {transform_indices = @transform_5, window_bounds = array<i64: 1, 1>}]} {
    %get3A = arith.constant 0 : index
    %get3A_0 = arith.constant 0 : index
    %get3A_1 = vector.load %arg3[%get3A, %get3A_0] : memref<3x4096xf32, #tpu.memory_space<vmem>>, vector<2x4096xf32>
    %get3A_2 = arith.constant 0 : index
    %get3A_3 = arith.constant 0 : index
    %get3A_4 = vector.load %arg3[%get3A_2, %get3A_3] : memref<3x4096xf32, #tpu.memory_space<vmem>>, vector<1x4096xf32>
    %get3A_5 = arith.constant 1 : index
    %get3A_6 = arith.constant 0 : index
    %get3A_7 = vector.load %arg3[%get3A_5, %get3A_6] : memref<3x4096xf32, #tpu.memory_space<vmem>>, vector<1x4096xf32>
    %mul3A = arith.mulf %get3A_4, %get3A_4 : vector<1x4096xf32>
    %mul3A_8 = arith.mulf %get3A_7, %get3A_7 : vector<1x4096xf32>
    %add3A = arith.addf %mul3A, %mul3A_8 : vector<1x4096xf32>
    %get3A_9 = arith.constant 0 : index
    %get3A_10 = arith.constant 0 : index
    %get3A_11 = vector.load %arg1[%get3A_9, %get3A_10] : memref<32x2xf32, #tpu.memory_space<vmem>>, vector<32x2xf32>
    %mul3A_12 = arith.mulf %get3A_11, %get3A_11 : vector<32x2xf32>
    %reduce_sum3A = arith.constant dense<0.000000e+00> : vector<32xf32>
    %reduce_sum3A_13 = vector.multi_reduction <add>, %mul3A_12, %reduce_sum3A [1] : vector<32x2xf32> to vector<32xf32>
    %broadcast_in_dim3A = vector.shape_cast %reduce_sum3A_13 : vector<32xf32> to vector<32x1xf32>
    %dot_general3A = arith.constant dense<0.000000e+00> : vector<32x4096xf32>
    %dot_general3A_14 = tpu.matmul %get3A_11, %get3A_1, %dot_general3A {dimension_numbers = #tpu.dot_dimension_numbers<[1], [0], [0], [1], [0, 0, 1, 1], [], []>, transpose_lhs_hint = false} : vector<32x2xf32>, vector<2x4096xf32>, vector<32x4096xf32> -> vector<32x4096xf32>
    %add3A_15 = vector.broadcast %add3A : vector<1x4096xf32> to vector<32x4096xf32>
    %add3A_16 = vector.broadcast %broadcast_in_dim3A : vector<32x1xf32> to vector<32x4096xf32>
    %add3A_17 = arith.addf %add3A_15, %add3A_16 : vector<32x4096xf32>
    %mul3A_18 = arith.constant 2.000000e+00 : f32
    %mul3A_19 = vector.broadcast %mul3A_18 : f32 to vector<32x4096xf32>
    %mul3A_20 = arith.mulf %mul3A_19, %dot_general3A_14 : vector<32x4096xf32>
    %sub3A = arith.subf %add3A_17, %mul3A_20 : vector<32x4096xf32>
    %max3A = arith.constant 0.000000e+00 : f32
    %max3A_21 = vector.broadcast %max3A : f32 to vector<32x4096xf32>
    %max3A_22 = arith.maximumf %sub3A, %max3A_21 : vector<32x4096xf32>
    %slice3A = vector.extract_strided_slice %max3A_22 {offsets = [0, 0], sizes = [16, 4096], strides = [1, 1]} : vector<32x4096xf32> to vector<16x4096xf32>
    %slice3A_23 = vector.extract_strided_slice %max3A_22 {offsets = [16, 0], sizes = [16, 4096], strides = [1, 1]} : vector<32x4096xf32> to vector<16x4096xf32>
    %min3A = arith.minimumf %slice3A, %slice3A_23 : vector<16x4096xf32>
    %slice3A_24 = vector.extract_strided_slice %max3A_22 {offsets = [0, 0], sizes = [16, 4096], strides = [1, 1]} : vector<32x4096xf32> to vector<16x4096xf32>
    %slice3A_25 = vector.extract_strided_slice %max3A_22 {offsets = [16, 0], sizes = [16, 4096], strides = [1, 1]} : vector<32x4096xf32> to vector<16x4096xf32>
    %max3A_26 = arith.maximumf %slice3A_24, %slice3A_25 : vector<16x4096xf32>
    %slice3A_27 = vector.extract_strided_slice %min3A {offsets = [0, 0], sizes = [8, 4096], strides = [1, 1]} : vector<16x4096xf32> to vector<8x4096xf32>
    %slice3A_28 = vector.extract_strided_slice %max3A_26 {offsets = [0, 0], sizes = [8, 4096], strides = [1, 1]} : vector<16x4096xf32> to vector<8x4096xf32>
    %slice3A_29 = vector.extract_strided_slice %min3A {offsets = [8, 0], sizes = [8, 4096], strides = [1, 1]} : vector<16x4096xf32> to vector<8x4096xf32>
    %slice3A_30 = vector.extract_strided_slice %max3A_26 {offsets = [8, 0], sizes = [8, 4096], strides = [1, 1]} : vector<16x4096xf32> to vector<8x4096xf32>
    %min3A_31 = arith.minimumf %slice3A_27, %slice3A_29 : vector<8x4096xf32>
    %max3A_32 = arith.maximumf %slice3A_27, %slice3A_29 : vector<8x4096xf32>
    %min3A_33 = arith.minimumf %slice3A_28, %slice3A_30 : vector<8x4096xf32>
    %min3A_34 = arith.minimumf %max3A_32, %min3A_33 : vector<8x4096xf32>
    %slice3A_35 = vector.extract_strided_slice %min3A_31 {offsets = [0, 0], sizes = [4, 4096], strides = [1, 1]} : vector<8x4096xf32> to vector<4x4096xf32>
    %slice3A_36 = vector.extract_strided_slice %min3A_34 {offsets = [0, 0], sizes = [4, 4096], strides = [1, 1]} : vector<8x4096xf32> to vector<4x4096xf32>
    %slice3A_37 = vector.extract_strided_slice %min3A_31 {offsets = [4, 0], sizes = [4, 4096], strides = [1, 1]} : vector<8x4096xf32> to vector<4x4096xf32>
    %slice3A_38 = vector.extract_strided_slice %min3A_34 {offsets = [4, 0], sizes = [4, 4096], strides = [1, 1]} : vector<8x4096xf32> to vector<4x4096xf32>
    %min3A_39 = arith.minimumf %slice3A_35, %slice3A_37 : vector<4x4096xf32>
    %max3A_40 = arith.maximumf %slice3A_35, %slice3A_37 : vector<4x4096xf32>
    %min3A_41 = arith.minimumf %slice3A_36, %slice3A_38 : vector<4x4096xf32>
    %min3A_42 = arith.minimumf %max3A_40, %min3A_41 : vector<4x4096xf32>
    %slice3A_43 = vector.extract_strided_slice %min3A_39 {offsets = [0, 0], sizes = [2, 4096], strides = [1, 1]} : vector<4x4096xf32> to vector<2x4096xf32>
    %slice3A_44 = vector.extract_strided_slice %min3A_42 {offsets = [0, 0], sizes = [2, 4096], strides = [1, 1]} : vector<4x4096xf32> to vector<2x4096xf32>
    %slice3A_45 = vector.extract_strided_slice %min3A_39 {offsets = [2, 0], sizes = [2, 4096], strides = [1, 1]} : vector<4x4096xf32> to vector<2x4096xf32>
    %slice3A_46 = vector.extract_strided_slice %min3A_42 {offsets = [2, 0], sizes = [2, 4096], strides = [1, 1]} : vector<4x4096xf32> to vector<2x4096xf32>
    %min3A_47 = arith.minimumf %slice3A_43, %slice3A_45 : vector<2x4096xf32>
    %max3A_48 = arith.maximumf %slice3A_43, %slice3A_45 : vector<2x4096xf32>
    %min3A_49 = arith.minimumf %slice3A_44, %slice3A_46 : vector<2x4096xf32>
    %min3A_50 = arith.minimumf %max3A_48, %min3A_49 : vector<2x4096xf32>
    %slice3A_51 = vector.extract_strided_slice %min3A_47 {offsets = [0, 0], sizes = [1, 4096], strides = [1, 1]} : vector<2x4096xf32> to vector<1x4096xf32>
    %slice3A_52 = vector.extract_strided_slice %min3A_50 {offsets = [0, 0], sizes = [1, 4096], strides = [1, 1]} : vector<2x4096xf32> to vector<1x4096xf32>
    %slice3A_53 = vector.extract_strided_slice %min3A_47 {offsets = [1, 0], sizes = [1, 4096], strides = [1, 1]} : vector<2x4096xf32> to vector<1x4096xf32>
    %slice3A_54 = vector.extract_strided_slice %min3A_50 {offsets = [1, 0], sizes = [1, 4096], strides = [1, 1]} : vector<2x4096xf32> to vector<1x4096xf32>
    %min3A_55 = arith.minimumf %slice3A_51, %slice3A_53 : vector<1x4096xf32>
    %max3A_56 = arith.maximumf %slice3A_51, %slice3A_53 : vector<1x4096xf32>
    %min3A_57 = arith.minimumf %slice3A_52, %slice3A_54 : vector<1x4096xf32>
    %min3A_58 = arith.minimumf %max3A_56, %min3A_57 : vector<1x4096xf32>
    %sqrt3A = math.sqrt %min3A_55 : vector<1x4096xf32>
    %sqrt3A_59 = math.sqrt %min3A_58 : vector<1x4096xf32>
    %get3A_60 = arith.constant 0 : index
    %get3A_61 = arith.constant 0 : index
    %get3A_62 = vector.load %arg2[%get3A_60, %get3A_61] : memref<1x2xf32, #tpu.memory_space<vmem>>, vector<1x1xf32>
    %get3A_63 = vector.extract %get3A_62[0, 0] : f32 from vector<1x1xf32>
    %sub3A_64 = vector.broadcast %get3A_63 : f32 to vector<1x4096xf32>
    %sub3A_65 = arith.subf %sqrt3A, %sub3A_64 : vector<1x4096xf32>
    %get3A_66 = arith.constant 0 : index
    %get3A_67 = arith.constant 1 : index
    %get3A_68 = vector.load %arg2[%get3A_66, %get3A_67] : memref<1x2xf32, #tpu.memory_space<vmem>>, vector<1x1xf32>
    %get3A_69 = vector.extract %get3A_68[0, 0] : f32 from vector<1x1xf32>
    %sub3A_70 = vector.broadcast %get3A_69 : f32 to vector<1x4096xf32>
    %sub3A_71 = arith.subf %sqrt3A_59, %sub3A_70 : vector<1x4096xf32>
    %mul3A_72 = arith.mulf %sub3A_65, %sub3A_65 : vector<1x4096xf32>
    %mul3A_73 = arith.mulf %sub3A_71, %sub3A_71 : vector<1x4096xf32>
    %add3A_74 = arith.addf %mul3A_72, %mul3A_73 : vector<1x4096xf32>
    %neg3A = arith.constant 0.000000e+00 : f32
    %neg3A_75 = vector.broadcast %neg3A : f32 to vector<1x4096xf32>
    %neg3A_76 = arith.subf %neg3A_75, %add3A_74 : vector<1x4096xf32>
    %div3A = arith.constant 2.020000e-02 : f32
    %div3A_77 = vector.broadcast %div3A : f32 to vector<1x4096xf32>
    %div3A_78 = arith.divf %neg3A_76, %div3A_77 : vector<1x4096xf32>
    %get3A_79 = arith.constant 0 : index
    %get3A_80 = arith.constant 0 : index
    %get3A_81 = vector.load %arg4[%get3A_79, %get3A_80] : memref<1x4096xf32, #tpu.memory_space<vmem>>, vector<1x4096xf32>
    %add3A_82 = arith.addf %get3A_81, %div3A_78 : vector<1x4096xf32>
    %reshape3A = vector.shape_cast %add3A_82 : vector<1x4096xf32> to vector<1x1x4096xf32>
    %swap3A = arith.constant 0 : index
    %swap3A_83 = arith.constant 0 : index
    %swap3A_84 = arith.constant 0 : index
    %swap3A_85 = vector.load %arg5[%swap3A, %swap3A_83, %swap3A_84] : memref<1x1x4096xf32, #tpu.memory_space<vmem>>, vector<1x1x4096xf32>
    tpu.vector_store %arg5[%swap3A, %swap3A_83, %swap3A_84], %reshape3A {strides = array<i32>} : memref<1x1x4096xf32, #tpu.memory_space<vmem>>, vector<1x1x4096xf32>,
    %reduce_max3A = vector.shape_cast %add3A_82 : vector<1x4096xf32> to vector<1x1x4096xf32>
    %reduce_max3A_86 = arith.constant dense<0xFF800000> : vector<1xf32>
    %reduce_max3A_87 = vector.multi_reduction <maximumf>, %reduce_max3A, %reduce_max3A_86 [1, 2] : vector<1x1x4096xf32> to vector<1xf32>
    %reduce_max3A_88 = vector.shape_cast %reduce_max3A_87 : vector<1xf32> to vector<1x1x1xf32>
    %reduce_max3A_89 = vector.extract %reduce_max3A_88[0, 0, 0] : f32 from vector<1x1x1xf32>
    %eq3A = arith.constant 0 : i32
    %eq3A_90 = arith.cmpi eq, %arg0, %eq3A : i32
    %convert_element_type3A = arith.extui %eq3A_90 : i1 to i32
    %cond3A = arith.constant 0 : i32
    %cond3A_91 = arith.cmpi ne, %convert_element_type3A, %cond3A : i32
    scf.if %cond3A_91 {
      %swap3A_96 = arith.constant 0 : index
      %swap3A_97 = arith.constant 0 : index
      %swap3A_98 = memref.load %arg6[%swap3A_96, %swap3A_97] : memref<1x1xf32, #tpu.memory_space<smem>>
      memref.store %reduce_max3A_89, %arg6[%swap3A_96, %swap3A_97] : memref<1x1xf32, #tpu.memory_space<smem>>
    } else {
    }
    %gt3A = arith.constant 0 : i32
    %gt3A_92 = arith.cmpi sgt, %arg0, %gt3A : i32
    %convert_element_type3A_93 = arith.extui %gt3A_92 : i1 to i32
    %cond3A_94 = arith.constant 0 : i32
    %cond3A_95 = arith.cmpi ne, %convert_element_type3A_93, %cond3A_94 : i32
    scf.if %cond3A_95 {
      %get3A_96 = arith.constant 0 : index
      %get3A_97 = arith.constant 0 : index
      %get3A_98 = memref.load %arg6[%get3A_96, %get3A_97] : memref<1x1xf32, #tpu.memory_space<smem>>
      %max3A_99 = arith.maximumf %get3A_98, %reduce_max3A_89 : f32
      %swap3A_100 = arith.constant 0 : index
      %swap3A_101 = arith.constant 0 : index
      %swap3A_102 = memref.load %arg6[%swap3A_100, %swap3A_101] : memref<1x1xf32, #tpu.memory_space<smem>>
      memref.store %max3A_99, %arg6[%swap3A_100, %swap3A_101] : memref<1x1xf32, #tpu.memory_space<smem>>
    } else {
    }
    return
  }
  func.func @transform_0(%arg0: i32) -> (i32, i32) {
    %c0_i32 = arith.constant 0 : i32
    %c0_i32_0 = arith.constant 0 : i32
    %c0_i32_1 = arith.constant 0 : i32
    return %c0_i32, %c0_i32_0 : i32, i32
  }
  func.func @transform_1(%arg0: i32) -> (i32, i32) {
    %c0_i32 = arith.constant 0 : i32
    %c0_i32_0 = arith.constant 0 : i32
    %c0_i32_1 = arith.constant 0 : i32
    return %c0_i32, %c0_i32_0 : i32, i32
  }
  func.func @transform_2(%arg0: i32) -> (i32, i32) {
    %c0_i32 = arith.constant 0 : i32
    %c0_i32_0 = arith.constant 0 : i32
    return %c0_i32, %arg0 : i32, i32
  }
  func.func @transform_3(%arg0: i32) -> (i32, i32) {
    %c0_i32 = arith.constant 0 : i32
    %c0_i32_0 = arith.constant 0 : i32
    return %c0_i32, %arg0 : i32, i32
  }
  func.func @transform_4(%arg0: i32) -> (i32, i32, i32) {
    %c0_i32 = arith.constant 0 : i32
    %c0_i32_0 = arith.constant 0 : i32
    %c0_i32_1 = arith.constant 0 : i32
    return %arg0, %c0_i32, %c0_i32_0 : i32, i32, i32
  }
  func.func @transform_5(%arg0: i32) -> (i32, i32) {
    %c0_i32 = arith.constant 0 : i32
    %c0_i32_0 = arith.constant 0 : i32
    %c0_i32_1 = arith.constant 0 : i32
    return %c0_i32, %c0_i32_0 : i32, i32
  }
}

</mosaic_0001>

<sc_bundles>
// kernel: branch_1_fun.4.cloned.1.call-start
scs
__scs_entry_jumppad:
0x0: {  	(pc) =	sbr.rel $0x88, $3  }
0x1: {  	(tag) =	ssettag $0x0;
	lr =	simm.s32 $0x1  }
0x2: {  	[smem:$0x3F9D] =	sst lr;
	_ =	strace $0xD0000000  }
0x3: {  	_ = 	snop  }
0x4: {  	_ = 	snop  }
0x5: {  	_ = 	snop  }
0x6: {  	_ = 	snop  }
0x7: {  	_ = 	snop  }
__scs_overlays_trampoline_lowered:
0x8: {  	[smem:$0x3FAC] =	sst s0  }
0x9: {  	[smem:$0x3FAD] =	sst s1  }
0xa: {  	[smem:$0x3FAE] =	sst s2  }
0xb: {  	[smem:$0x3FAF] =	sst s3  }
0xc: {  	[smem:$0x3FB0] =	sst s4  }
0xd: {  	[smem:$0x3FB1] =	sst s5  }
0xe: {  	[smem:$0x3FB2] =	sst s6  }
0xf: {  	[smem:$0x3FB3] =	sst s7  }
0x10: {  	[smem:$0x3FB4] =	sst s8  }
0x11: {  	[smem:$0x3FB5] =	sst s9;
	s0 =	simm.s32 @!p0 $0x0  }
0x12: {  	s1 =	sld [smem:$0x3F9B];
	s0 =	simm.s32 @p0 $0x1  }
0x13: {  	[smem:$0x3FB6] =	sst s0;
	s0 =	simm.s32 @!p1 $0x0  }
0x14: {  	s2 =	sld [smem:$0x3F9A];
	s0 =	simm.s32 @p1 $0x1  }
0x15: {  	[smem:$0x3FB7] =	sst s0;
	s0 =	simm.s32 @!p2 $0x0  }
0x16: {  	s3 =	sld [smem:$0x3FDB];
	s0 =	simm.s32 @p2 $0x1  }
0x17: {  	s4 =	simm.s32 $0x1BF5;
	[smem:$0x3FB9] =	sst s0  }
0x18: {  	s0 =	sld [smem:$0x3F9C];
	_ =	swait.ge [sflag:s4], $0x0  }
0x19: {  	s7 =	sld [smem:$0x3F9D]  }
0x1a: {  	s8 =	sadd.s32 $0xFFFFE003, lr  }
0x1b: {  	s9 =	sadd.s32 $0xFFFFFEF7, lr;
	s5 =	simm.s32 $0xFFFFFFFF;
	p2 =	slt.u32 s8, $0xFFFFF086  }
0x1c: {  	p1 =	slt.u32 s9, $0xF7A;
	s5 =	simm.s32 @!p2 $0x0  }
0x1d: {  	s5 =	simm.s32 @p1 $0x1;
	p0 =	seq.s32 s7, s2  }
0x1e: {  	s7 =	smul.u32 @!p0 $0xF7A, s2;
	p2 =	seq.s32 @!p0 s5, $0x0  }
0x1f: {  	s9 =	smul.u32 $0xF7A, s1;
	s8 =	simm.s32 @!p0 $0x1BF5;
	p2 =	por !p2, p0  }
0x20: {  	[sflag:s8] =	ssyncset.s32 @!p0 $0xFFFFF086;
	s6 =	sadd.s32 @!p0 s3, s7;
	s7 =	simm.s32 @!p0 $0x108  }
0x21: {  	s3 =	sadd.s32 s3, s9;
	s6 =	sadd.s32 @!p0 $0x88, s6;
	s7 =	simm.s32 @p2 $0x1082  }
0x22: {  	[simem:s7], [sflag:s8] =	dma.local @!p0 [hbm:s6], $0xF7A  }
0x23: {  	s9 =	sor.u32 $0xD0000000, s2;
	s6 =	simm.s32 $0x108;
	_ =	swait.ge @!p0 [sflag:s8], $0x0  }
0x24: {  	s3 =	sadd.s32 $0x88, s3;
	s6 =	simm.s32 @!p1 $0x1082;
	[sflag:s4] =	ssyncset.s32 $0xFFFFF086  }
0x25: {  	[simem:s6], [sflag:s4] =	dma.local [hbm:s3], $0xF7A  }
0x26: {  	[smem:$0x3F9D] =	sst s1;
	(tag) =	ssettag s2;
	_ =	strace s9  }
0x27: {  	s1 =	sld [smem:$0x3FAD]  }
0x28: {  	s2 =	sld [smem:$0x3FAE]  }
0x29: {  	s4 =	sld [smem:$0x3FB0]  }
0x2a: {  	p0 =	seq.s32 s5, $0x0;
	s5 =	sld [smem:$0x3FB1]  }
0x2b: {  	s6 =	sld [smem:$0x3FB2]  }
0x2c: {  	s7 =	sld [smem:$0x3FB3]  }
0x2d: {  	s3 =	simm.s32 $0x108;
	s8 =	sld [smem:$0x3FB4]  }
0x2e: {  	s3 =	simm.s32 @!p0 $0x1082;
	s9 =	sld [smem:$0x3FB5]  }
0x2f: {  	lr =	sadd.s32 s0, s3;
	s0 =	sld [smem:$0x3FAC]  }
0x30: {  	s3 =	sld [smem:$0x3FAF]  }
0x31: {  	[smem:$0x3FB8] =	sst s10  }
0x32: {  	s10 =	sld [smem:$0x3FB6];
	_ =	sdelay $0x3  }
0x33: {  	p0 =	seq.s32 s10, $0x1;
	s10 =	sld [smem:$0x3FB8];
	_ =	sdelay $0x3  }
0x34: {  	[smem:$0x3FB8] =	sst s10  }
0x35: {  	s10 =	sld [smem:$0x3FB7];
	_ =	sdelay $0x3  }
0x36: {  	p1 =	seq.s32 s10, $0x1;
	s10 =	sld [smem:$0x3FB8];
	_ =	sdelay $0x3  }
0x37: {  	[smem:$0x3FB8] =	sst s10  }
0x38: {  	s10 =	sld [smem:$0x3FB9]  }
0x39: {  	_ = 	snop;
	(pc) =	sbr.ind lr, $3  }
0x3a: {  	_ = 	snop  }
0x3b: {  	_ = 	snop  }
0x3c: {  	p2 =	seq.s32 s10, $0x1;
	s10 =	sld [smem:$0x3FB8]  }
0x3d: {  	_ =	shalt  }
0x3e: {  	_ =	shalt  }
0x3f: {  	_ =	shalt  }
0x40: {  	_ =	shalt  }
0x41: {  	_ =	shalt  }
0x42: {  	_ =	shalt  }
0x43: {  	_ =	shalt  }
0x44: {  	_ =	shalt  }
0x45: {  	_ =	shalt  }
0x46: {  	_ =	shalt  }
0x47: {  	_ =	shalt  }
0x48: {  	_ =	shalt  }
0x49: {  	_ =	shalt  }
0x4a: {  	_ =	shalt  }
0x4b: {  	_ =	shalt  }
0x4c: {  	_ =	shalt  }
0x4d: {  	_ =	shalt  }
0x4e: {  	_ =	shalt  }
0x4f: {  	_ =	shalt  }
0x50: {  	_ =	shalt  }
0x51: {  	_ =	shalt  }
0x52: {  	_ =	shalt  }
0x53: {  	_ =	shalt  }
0x54: {  	_ =	shalt  }
0x55: {  	_ =	shalt  }
0x56: {  	_ =	shalt  }
0x57: {  	_ =	shalt  }
0x58: {  	_ =	shalt  }
0x59: {  	_ =	shalt  }
0x5a: {  	_ =	shalt  }
0x5b: {  	_ =	shalt  }
0x5c: {  	_ =	shalt  }
0x5d: {  	_ =	shalt  }
0x5e: {  	_ =	shalt  }
0x5f: {  	_ =	shalt  }
0x60: {  	_ =	shalt  }
0x61: {  	_ =	shalt  }
0x62: {  	_ =	shalt  }
0x63: {  	_ =	shalt  }
0x64: {  	_ =	shalt  }
0x65: {  	_ =	shalt  }
0x66: {  	_ =	shalt  }
0x67: {  	_ =	shalt  }
0x68: {  	_ =	shalt  }
0x69: {  	_ =	shalt  }
0x6a: {  	_ =	shalt  }
0x6b: {  	_ =	shalt  }
0x6c: {  	_ =	shalt  }
0x6d: {  	_ =	shalt  }
0x6e: {  	_ =	shalt  }
0x6f: {  	_ =	shalt  }
0x70: {  	_ =	shalt  }
0x71: {  	_ =	shalt  }
0x72: {  	_ =	shalt  }
0x73: {  	_ =	shalt  }
0x74: {  	_ =	shalt  }
0x75: {  	_ =	shalt  }
0x76: {  	_ =	shalt  }
0x77: {  	_ =	shalt  }
0x78: {  	_ =	shalt  }
0x79: {  	_ =	shalt  }
0x7a: {  	_ =	shalt  }
0x7b: {  	_ =	shalt  }
0x7c: {  	_ =	shalt  }
0x7d: {  	_ =	shalt  }
0x7e: {  	_ =	shalt  }
0x7f: {  	_ =	shalt  }
0x80: {  	_ =	shalt  }
0x81: {  	_ =	shalt  }
0x82: {  	_ =	shalt  }
0x83: {  	_ =	shalt  }
0x84: {  	_ =	shalt  }
0x85: {  	_ =	shalt  }
0x86: {  	_ =	shalt  }
0x87: {  	_ =	shalt  }
.Lfunc_end0:
.L_simem_size_0:
called_computation_lowered:
.L_overlay_start_0:
0x88: {  	s2 =	sld [smem:$0x3FD9]  }
0x89: {  	s3 =	sld [smem:$0x3FFE];
	_ =	sdelay $0x1  }
0x8a: {  	s1 =	srdreg.scid  }
0x8b: {  	s0 =	sand.u32 $0x1, s1  }
0x8c: {  	s17 =	sshll.u32 s0, $0xA;
	s2 =	sadd.s32 s3, s2  }
0x8d: {  	s2 =	sadd.s32 s2, s17  }
0x8e: {  	[smem:$0x3FC4] =	sst s2  }
0x8f: {  	_ = 	snop  }
0x90: {  	s2 =	sld [smem:$0x3FD0];
	(tm) =	ssettm $0x1  }
0x91: {  	s18 =	sld [smem:$0x3FFB];
	_ =	sdelay $0x3  }
0x92: {  	_ =	strace s18  }
0x93: {  	s3 =	sld [smem:$0x3FFC];
	_ =	sdelay $0x3  }
0x94: {  	_ =	strace s3  }
0x95: {  	s3 =	sld [smem:$0x3FFD];
	_ =	sdelay $0x3  }
0x96: {  	_ =	strace s3  }
0x97: {  	_ =	strace $0x8FFFFFFF  }
0x98: {  	s19 =	sld [smem:$0x3FDB];
	_ =	sdelay $0x1  }
0x99: {  	s4 =	simm.s32 $_scs_section_size  }
0x9a: {  	s5 =	simm.s32 $_size__tile_overlayer_lowered;
	s6 =	simm.s32 $_tile_overlayer_lowered  }
0x9b: {  	s22 =	simm.s32 $0x1BFF;
	s21 =	sshll.u32 s6, $0x1;
	s3 =	sadd.s32 s4, s19  }
0x9c: {  	s7 =	simm.s32 $0x0;
	s20 =	sshll.u32 s5, $0x1;
	s5 =	sadd.s32 s21, s3  }
0x9d: {  	[timem:s7], [sflag:s22] =	dma.local [hbm:s5], s20  }
0x9e: {  	_ =	swait.ge [sflag:s22], s20  }
0x9f: {  	s4 =	ssub.s32 $0x0, s20;
	[sflag:s22] =	ssyncset.done $0x0  }
0xa0: {  	[sflag:s22] =	ssyncadd.s32 s4;
	_ =	sdelay $0x1  }
0xa1: {  	s23 =	simm.s32 $0x1B8B  }
0xa2: {  	_ =	swait.ge [sflag:s23], $0x1  }
0xa3: {  	[sflag:s23] =	ssyncset.done $0x0  }
0xa4: {  	s25 =	simm.s32 $0x1B8E;
	s24 =	sld [smem:$0x3FFE];
	[sflag:s23] =	ssyncadd.s32 $0xFFFFFFFF  }
0xa5: {  	s26 =	simm.s32 $execute0_lowered;
	[smem:$0x3FD2] =	sst s25  }
0xa6: {  	s5 =	sshll.u32 s26, $0x1;
	_ =	strace $0x80000046;
	[dreg:$0x1] =	wrdreg $0xFFFFFFFF  }
0xa7: {  	s28 =	simm.s32 $_size_execute0_lowered;
	s3 =	sadd.s32 s3, s5;
	[dreg:$0x0] =	wrdreg $0x0  }
0xa8: {  	s5 =	sshll.u32 s28, $0x1;
	[dreg:$0x2] =	wrdreg s3  }
0xa9: {  	[dreg:$0x3] =	wrdreg s5  }
0xaa: {  	[dreg:$0x4] =	wrdreg $0xC0  }
0xab: {  	_ =	task [dreg:s7], $0x5FFFF  }
0xac: {  	[dreg:$0x1] =	wrdreg $0xFFFFFFFF  }
0xad: {  	[dreg:$0x0] =	wrdreg $0x60  }
0xae: {  	[dreg:$0x2] =	wrdreg s2  }
0xaf: {  	[dreg:$0x3] =	wrdreg s24  }
0xb0: {  	[dreg:$0x4] =	wrdreg $0x9  }
0xb1: {  	_ =	task.clear_ibuf [dreg:s7], $0x5FFFF;
	_ =	strace $0x90000046  }
0xb2: {  	s29 =	simm.s32 $0x9;
	_ =	strace $0x80000048  }
0xb3: {  	_ =	swait.ge [sflag:s29], $0x1  }
0xb4: {  	[sflag:s29] =	ssyncadd.s32 $0xFFFFFFFF  }
0xb5: {  	_ =	strace $0x90000048  }
0xb6: {  	_ =	sfence  }
0xb7: {  	s30 =	sld [smem:$0x0];
	_ =	sdelay $0x2  }
0xb8: {  	s31 =	sshll.u32 s1, $0xD;
	s1 =	sshrl.u32 s1, $0x2  }
0xb9: {  	s3 =	sand.u32 $0x4000, s31;
	s1 =	sadd.s32 s1, s30  }
0xba: {  	s0 =	sor.u32 s3, s0;
	s1 =	sshll.u32 s1, $0x11  }
0xbb: {  	s0 =	sor.u32 s1, s0  }
0xbc: {  	s0 =	sadd.s32 $0x8F2B, s0  }
0xbd: {  	[sflag:s0] =	ssyncadd.remote.s32 $0x1  }
0xbe: {  	_ =	sfence.sel $0xFFFF  }
0xbf: {  	[dreg:$0x0] =	wrdreg $0xFFFFFFFF;
	(pc) =	sbr.abs _section_cstart, $3  }
0xc0: {  	[dreg:$0x1] =	wrdreg $0xFFFFFFFF  }
0xc1: {  	_ =	task.clear_ibuf [dreg:s7], $0x2FFFF;
	_ =	strace $0x9FFFFFFF  }
0xc2: {  	(tm) =	ssettm $0x7FFFFFFF  }
0xc3: {  	_ =	shalt  }
tec
execute0_lowered:
.L_overlay_start_1:
0x0: {  	(tag) =	ssettag $0x1  }
0x1: {  	s1 =	rddreg [dreg:$0x0]  }
0x2: {  	s4 =	rddreg [dreg:$0x1]  }
0x3: {  	s3 =	srdreg.scid;
	s0 =	rddreg [dreg:$0x2];
	s2 =	simm.s32 $0x0  }
0x4: {  	s8 =	simm.s32 $0x3000;
	s9 =	simm.s32 $0x0;
	s5 =	sand.u32 $0x1, s3  }
0x5: {  	[smem:$0x7FF] =	sst s2;
	s3 =	stileid.u32;
	s6 =	ssub.s32 $0x2, s5  }
0x6: {  	s4 =	sadd.s32 $0x142600, s4;
	_ =	strace $0x80000047;
	s7 =	sshrl.u32 s6, $0x1  }
0x7: {  	s31 =	sshll.u32 s3, $0x10;
	s5 =	sshll.u32 s5, $0xF;
	s6 =	ssub.s32 s6, s7  }
0x8: {  	v0 =	vlaneseq.u32;
	v1 =	vimm.f32 $-1.386294360e+01;
	s5 =	sor.u32 s5, s31;
	s7 =	simm.s32 $0x1;
	s6 =	smax.u32 s6, $0x1  }
.LBB2_1:
0x9: {  	s10 =	simm.s32 $0x0  }
.LBB2_2:
0xa: {  	s11 =	sshll.u32 s10, $0xC  }
0xb: {  	s11 =	sadd.s32 s5, s11  }
0xc: {  	s13 =	simm.s32 $0x0;
	s12 =	smul.u32 $0x3, s11  }
0xd: {  	v2 =	vor.u32 s13, v0  }
0xe: {  	v3 =	vmul.u32 $0x3, v2;
	s12 =	sshrl.u32 s12, $0x3  }
0xf: {  	s12 =	sadd.s32 s1, s12  }
0x10: {  	[tilespmem:s2], [sflag:$0x1] =	stream.linear.gather [hbm4b:s12+s2], $0x3000, $0x38;
	[tilespmem:$0x13000] =	vst v63  }
0x11: {  	_ =	swait.ge [sflag:s7], $0x3000  }
0x12: {  	[sflag:s7] =	ssyncset.done $0x0  }
0x13: {  	[sflag:s7] =	ssyncadd.s32 $0xFFFFD000  }
0x14: {  	v2 =	vshll.u32 v2, $0x4;
	v4 =	vld.idx.msk [tilespmem:v3+s2+$0x0], $0xffff  }
0x15: {  	v5 =	vadd.s32 $0x1, v3;
	_ =	sdelay $0x3  }
0x16: {  	[tilespmem:v2+s8+$0x0] =	vst.idx.msk $0xffff, v4  }
0x17: {  	v4 =	vld.idx.msk [tilespmem:v5+s2+$0x0], $0xffff;
	v5 =	vor.u32 $0x1, v2  }
0x18: {  	v3 =	vadd.s32 $0x2, v3;
	_ =	sdelay $0x3  }
0x19: {  	s30 =	simm.s32 $0x10;
	[tilespmem:v5+s8+$0x0] =	vst.idx.msk $0xffff, v4  }
0x1a: {  	v4 =	vor.u32 $0x2, v2;
	v5 =	vor.u32 s30, v0;
	v3 =	vld.idx.msk [tilespmem:v3+s2+$0x0], $0xffff  }
0x1b: {  	v2 =	vor.u32 $0x3, v2;
	v6 =	vmul.u32 $0x3, v5;
	_ =	sdelay $0x3  }
0x1c: {  	[tilespmem:v4+s8+$0x0] =	vst.idx.msk $0xffff, v3  }
0x1d: {  	[tilespmem:v2+s8+$0x0] =	vst.idx.msk $0xffff, v1  }
0x1e: {  	v4 =	vshll.u32 v5, $0x4;
	v2 =	vld.idx.msk [tilespmem:v6+s2+$0x0], $0xffff  }
0x1f: {  	v3 =	vadd.s32 $0x1, v6;
	_ =	sdelay $0x3  }
0x20: {  	[tilespmem:v4+s8+$0x0] =	vst.idx.msk $0xffff, v2  }
0x21: {  	v2 =	vld.idx.msk [tilespmem:v3+s2+$0x0], $0xffff;
	v3 =	vor.u32 $0x1, v4  }
0x22: {  	v5 =	vadd.s32 $0x2, v6;
	_ =	sdelay $0x3  }
0x23: {  	s31 =	simm.s32 $0x20;
	[tilespmem:v3+s8+$0x0] =	vst.idx.msk $0xffff, v2  }
0x24: {  	v6 =	vor.u32 $0x2, v4;
	v3 =	vor.u32 s31, v0;
	v5 =	vld.idx.msk [tilespmem:v5+s2+$0x0], $0xffff  }
0x25: {  	v4 =	vor.u32 $0x3, v4;
	v2 =	vmul.u32 $0x3, v3;
	_ =	sdelay $0x3  }
0x26: {  	s13 =	simm.s32 $0x2;
	s12 =	simm.s32 $0x30;
	[tilespmem:v6+s8+$0x0] =	vst.idx.msk $0xffff, v5  }
.LBB2_3:
0x27: {  	s13 =	sadd.s32 $0x2, s13;
	[tilespmem:v4+s8+$0x0] =	vst.idx.msk $0xffff, v1  }
0x28: {  	p0 =	slt.u32 s13, $0xFE;
	v4 =	vld.idx.msk [tilespmem:v2+s2+$0x0], $0xffff  }
0x29: {  	v3 =	vshll.u32 v3, $0x4  }
0x2a: {  	v5 =	vadd.s32 $0x1, v2;
	_ =	sdelay $0x3  }
0x2b: {  	[tilespmem:v3+s8+$0x0] =	vst.idx.msk $0xffff, v4  }
0x2c: {  	v4 =	vld.idx.msk [tilespmem:v5+s2+$0x0], $0xffff  }
0x2d: {  	v5 =	vor.u32 $0x1, v3  }
0x2e: {  	v2 =	vadd.s32 $0x2, v2;
	_ =	sdelay $0x3  }
0x2f: {  	[tilespmem:v5+s8+$0x0] =	vst.idx.msk $0xffff, v4  }
0x30: {  	v2 =	vld.idx.msk [tilespmem:v2+s2+$0x0], $0xffff  }
0x31: {  	v4 =	vor.u32 $0x2, v3;
	v5 =	vor.u32 s12, v0  }
0x32: {  	v3 =	vor.u32 $0x3, v3;
	v6 =	vmul.u32 $0x3, v5;
	_ =	sdelay $0x3  }
0x33: {  	[tilespmem:v4+s8+$0x0] =	vst.idx.msk $0xffff, v2  }
0x34: {  	[tilespmem:v3+s8+$0x0] =	vst.idx.msk $0xffff, v1  }
0x35: {  	v2 =	vld.idx.msk [tilespmem:v6+s2+$0x0], $0xffff  }
0x36: {  	v4 =	vshll.u32 v5, $0x4  }
0x37: {  	v3 =	vadd.s32 $0x1, v6;
	_ =	sdelay $0x3  }
0x38: {  	[tilespmem:v4+s8+$0x0] =	vst.idx.msk $0xffff, v2  }
0x39: {  	v2 =	vld.idx.msk [tilespmem:v3+s2+$0x0], $0xffff  }
0x3a: {  	v3 =	vor.u32 $0x1, v4  }
0x3b: {  	v5 =	vadd.s32 $0x2, v6;
	_ =	sdelay $0x3  }
0x3c: {  	s12 =	sadd.s32 $0x20, s12;
	[tilespmem:v3+s8+$0x0] =	vst.idx.msk $0xffff, v2  }
0x3d: {  	s14 =	sadd.s32 $0xFFFFFFF0, s12;
	v5 =	vld.idx.msk [tilespmem:v5+s2+$0x0], $0xffff  }
0x3e: {  	v6 =	vor.u32 $0x2, v4;
	v3 =	vor.u32 s14, v0  }
.Ltmp0:
0x3f: {  	v4 =	vor.u32 $0x3, v4;
	v2 =	vmul.u32 $0x3, v3;
	(pc) =	sbr.rel @p0 .LBB2_3-.Ltmp0, $2  }
0x40: {  	_ =	sdelay $0x2  }
0x41: {  	[tilespmem:v6+s8+$0x0] =	vst.idx.msk $0xffff, v5  }
0x42: {  	_ =	sdelay $0x3  }
0x43: {  	[tilespmem:v4+s8+$0x0] =	vst.idx.msk $0xffff, v1  }
0x44: {  	v3 =	vshll.u32 v3, $0x4;
	v4 =	vld.idx.msk [tilespmem:v2+s2+$0x0], $0xffff  }
0x45: {  	v5 =	vadd.s32 $0x1, v2;
	_ =	sdelay $0x3  }
0x46: {  	[tilespmem:v3+s8+$0x0] =	vst.idx.msk $0xffff, v4  }
0x47: {  	v57 =	vor.u32 $0x1, v3;
	v4 =	vld.idx.msk [tilespmem:v5+s2+$0x0], $0xffff  }
0x48: {  	v2 =	vadd.s32 $0x2, v2;
	_ =	sdelay $0x3  }
0x49: {  	[tilespmem:v57+s8+$0x0] =	vst.idx.msk $0xffff, v4  }
0x4a: {  	v59 =	vor.u32 s12, v0;
	v58 =	vor.u32 $0x2, v3;
	v2 =	vld.idx.msk [tilespmem:v2+s2+$0x0], $0xffff  }
0x4b: {  	v6 =	vmul.u32 $0x3, v59;
	v3 =	vor.u32 $0x3, v3;
	_ =	sdelay $0x3  }
0x4c: {  	[tilespmem:v58+s8+$0x0] =	vst.idx.msk $0xffff, v2  }
0x4d: {  	[tilespmem:v3+s8+$0x0] =	vst.idx.msk $0xffff, v1  }
0x4e: {  	v3 =	vshll.u32 v59, $0x4;
	v2 =	vld.idx.msk [tilespmem:v6+s2+$0x0], $0xffff  }
0x4f: {  	v60 =	vadd.s32 $0x1, v6;
	_ =	sdelay $0x3  }
0x50: {  	[tilespmem:v3+s8+$0x0] =	vst.idx.msk $0xffff, v2  }
0x51: {  	v61 =	vor.u32 $0x1, v3;
	v2 =	vld.idx.msk [tilespmem:v60+s2+$0x0], $0xffff  }
0x52: {  	v62 =	vadd.s32 $0x2, v6;
	_ =	sdelay $0x3  }
0x53: {  	[tilespmem:v61+s8+$0x0] =	vst.idx.msk $0xffff, v2  }
0x54: {  	v63 =	vor.u32 $0x2, v3;
	v2 =	vld.idx.msk [tilespmem:v62+s2+$0x0], $0xffff  }
0x55: {  	v3 =	vor.u32 $0x3, v3;
	_ =	sdelay $0x2  }
0x56: {  	s10 =	sadd.s32 $0x1, s10  }
0x57: {  	s11 =	sshll.u32 s11, $0x1;
	p0 =	sne.s32 s10, $0x8;
	[tilespmem:v63+s8+$0x0] =	vst.idx.msk $0xffff, v2  }
.Ltmp1:
0x58: {  	s11 =	sadd.s32 s4, s11;
	[tilespmem:v3+s8+$0x0] =	vst.idx.msk $0xffff, v1;
	(pc) =	sbr.rel @p0 .LBB2_2-.Ltmp1, $4  }
0x59: {  	[hbm4b:s11+s2] =	stream.linear.scatter [tilespmem:s8], [sflag:$0x1], $0x10000, $0x38;
	[tilespmem:$0x13000] =	vst v63  }
0x5a: {  	_ =	swait.ge [sflag:s7], $0x10000  }
0x5b: {  	[sflag:s7] =	ssyncset.done $0x0  }
0x5c: {  	[sflag:s7] =	ssyncadd.s32 $0xFFFF0000  }
0x5d: {  	s9 =	sadd.s32 $0x1, s9  }
0x5e: {  	p0 =	sne.s32 s9, s6  }
.Ltmp2:
0x5f: {  	_ = 	snop;
	(pc) =	sbr.rel @p0 .LBB2_1-.Ltmp2, $1  }
0x60: {  	_ =	sdelay $0x3  }
0x61: {  	_ =	sfence.sel $0x180000  }
0x62: {  	[bflag:$0x0] =	sbarrier.arrive $0xFFFF  }
0x63: {  	p0 =	sne.s32 s3, $0x0;
	_ =	strace $0x90000047  }
0x64: {  	s0 =	sadd.s32 @!p0 $0x100000, s0;
	[bflag:$0x2] =	sbarrier.arrive $0xFFFF  }
0x65: {  	[sflag:s0] =	ssyncadd.tile.s32 @!p0 $0x1;
	_ =	shalt  }
.Lfunc_end2:
_tile_overlayer_lowered:
.L_overlay_start_2:
0x66: {  	(tag) =	ssettag $0x2  }
0x67: {  	s0 =	rddreg [dreg:$0x0];
	s2 =	stileid.u32  }
0x68: {  	s1 =	rddreg [dreg:$0x1];
	p0 =	sne.s32 s2, $0x0  }
0x69: {  	s3 =	rddreg [dreg:$0x2];
	[bflag:$0x3] =	sbarrier.arrive $0xFFFF;
	s2 =	simm.s32 @!p0 $0x1C01  }
0x6a: {  	[timem:s3], [sflag:s2] =	dma.local @!p0 [hbm:s0], s1  }
0x6b: {  	s0 =	simm.s32 @!p0 $0x1  }
0x6c: {  	_ =	swait.ge @!p0 [sflag:s0], s1  }
0x6d: {  	s1 =	ssub.s32 @!p0 $0x0, s1;
	[sflag:s0] =	ssyncset.done @!p0 $0x0  }
0x6e: {  	[sflag:s0] =	ssyncadd.s32 @!p0 s1  }
0x6f: {  	[bflag:$0x3] =	sbarrier.arrive $0xFFFF  }
0x70: {  	_ =	shalt  }

// kernel: branch_1_fun.7.cloned.1.call-start
scs
__scs_entry_jumppad:
0x0: {  	(pc) =	sbr.rel $0x88, $3  }
0x1: {  	(tag) =	ssettag $0x0;
	lr =	simm.s32 $0x1  }
0x2: {  	[smem:$0x3F9D] =	sst lr;
	_ =	strace $0xD0000000  }
0x3: {  	_ = 	snop  }
0x4: {  	_ = 	snop  }
0x5: {  	_ = 	snop  }
0x6: {  	_ = 	snop  }
0x7: {  	_ = 	snop  }
__scs_overlays_trampoline_lowered:
0x8: {  	[smem:$0x3FAC] =	sst s0  }
0x9: {  	[smem:$0x3FAD] =	sst s1  }
0xa: {  	[smem:$0x3FAE] =	sst s2  }
0xb: {  	[smem:$0x3FAF] =	sst s3  }
0xc: {  	[smem:$0x3FB0] =	sst s4  }
0xd: {  	[smem:$0x3FB1] =	sst s5  }
0xe: {  	[smem:$0x3FB2] =	sst s6  }
0xf: {  	[smem:$0x3FB3] =	sst s7  }
0x10: {  	[smem:$0x3FB4] =	sst s8  }
0x11: {  	[smem:$0x3FB5] =	sst s9;
	s0 =	simm.s32 @!p0 $0x0  }
0x12: {  	s1 =	sld [smem:$0x3F9B];
	s0 =	simm.s32 @p0 $0x1  }
0x13: {  	[smem:$0x3FB6] =	sst s0;
	s0 =	simm.s32 @!p1 $0x0  }
0x14: {  	s2 =	sld [smem:$0x3F9A];
	s0 =	simm.s32 @p1 $0x1  }
0x15: {  	[smem:$0x3FB7] =	sst s0;
	s0 =	simm.s32 @!p2 $0x0  }
0x16: {  	s3 =	sld [smem:$0x3FDB];
	s0 =	simm.s32 @p2 $0x1  }
0x17: {  	s4 =	simm.s32 $0x1BF5;
	[smem:$0x3FB9] =	sst s0  }
0x18: {  	s0 =	sld [smem:$0x3F9C];
	_ =	swait.ge [sflag:s4], $0x0  }
0x19: {  	s7 =	sld [smem:$0x3F9D]  }
0x1a: {  	s8 =	sadd.s32 $0xFFFFE003, lr  }
0x1b: {  	s9 =	sadd.s32 $0xFFFFFEF7, lr;
	s5 =	simm.s32 $0xFFFFFFFF;
	p2 =	slt.u32 s8, $0xFFFFF086  }
0x1c: {  	p1 =	slt.u32 s9, $0xF7A;
	s5 =	simm.s32 @!p2 $0x0  }
0x1d: {  	s5 =	simm.s32 @p1 $0x1;
	p0 =	seq.s32 s7, s2  }
0x1e: {  	s7 =	smul.u32 @!p0 $0xF7A, s2;
	p2 =	seq.s32 @!p0 s5, $0x0  }
0x1f: {  	s9 =	smul.u32 $0xF7A, s1;
	s8 =	simm.s32 @!p0 $0x1BF5;
	p2 =	por !p2, p0  }
0x20: {  	[sflag:s8] =	ssyncset.s32 @!p0 $0xFFFFF086;
	s6 =	sadd.s32 @!p0 s3, s7;
	s7 =	simm.s32 @!p0 $0x108  }
0x21: {  	s3 =	sadd.s32 s3, s9;
	s6 =	sadd.s32 @!p0 $0x88, s6;
	s7 =	simm.s32 @p2 $0x1082  }
0x22: {  	[simem:s7], [sflag:s8] =	dma.local @!p0 [hbm:s6], $0xF7A  }
0x23: {  	s9 =	sor.u32 $0xD0000000, s2;
	s6 =	simm.s32 $0x108;
	_ =	swait.ge @!p0 [sflag:s8], $0x0  }
0x24: {  	s3 =	sadd.s32 $0x88, s3;
	s6 =	simm.s32 @!p1 $0x1082;
	[sflag:s4] =	ssyncset.s32 $0xFFFFF086  }
0x25: {  	[simem:s6], [sflag:s4] =	dma.local [hbm:s3], $0xF7A  }
0x26: {  	[smem:$0x3F9D] =	sst s1;
	(tag) =	ssettag s2;
	_ =	strace s9  }
0x27: {  	s1 =	sld [smem:$0x3FAD]  }
0x28: {  	s2 =	sld [smem:$0x3FAE]  }
0x29: {  	s4 =	sld [smem:$0x3FB0]  }
0x2a: {  	p0 =	seq.s32 s5, $0x0;
	s5 =	sld [smem:$0x3FB1]  }
0x2b: {  	s6 =	sld [smem:$0x3FB2]  }
0x2c: {  	s7 =	sld [smem:$0x3FB3]  }
0x2d: {  	s3 =	simm.s32 $0x108;
	s8 =	sld [smem:$0x3FB4]  }
0x2e: {  	s3 =	simm.s32 @!p0 $0x1082;
	s9 =	sld [smem:$0x3FB5]  }
0x2f: {  	lr =	sadd.s32 s0, s3;
	s0 =	sld [smem:$0x3FAC]  }
0x30: {  	s3 =	sld [smem:$0x3FAF]  }
0x31: {  	[smem:$0x3FB8] =	sst s10  }
0x32: {  	s10 =	sld [smem:$0x3FB6];
	_ =	sdelay $0x3  }
0x33: {  	p0 =	seq.s32 s10, $0x1;
	s10 =	sld [smem:$0x3FB8];
	_ =	sdelay $0x3  }
0x34: {  	[smem:$0x3FB8] =	sst s10  }
0x35: {  	s10 =	sld [smem:$0x3FB7];
	_ =	sdelay $0x3  }
0x36: {  	p1 =	seq.s32 s10, $0x1;
	s10 =	sld [smem:$0x3FB8];
	_ =	sdelay $0x3  }
0x37: {  	[smem:$0x3FB8] =	sst s10  }
0x38: {  	s10 =	sld [smem:$0x3FB9]  }
0x39: {  	_ = 	snop;
	(pc) =	sbr.ind lr, $3  }
0x3a: {  	_ = 	snop  }
0x3b: {  	_ = 	snop  }
0x3c: {  	p2 =	seq.s32 s10, $0x1;
	s10 =	sld [smem:$0x3FB8]  }
0x3d: {  	_ =	shalt  }
0x3e: {  	_ =	shalt  }
0x3f: {  	_ =	shalt  }
0x40: {  	_ =	shalt  }
0x41: {  	_ =	shalt  }
0x42: {  	_ =	shalt  }
0x43: {  	_ =	shalt  }
0x44: {  	_ =	shalt  }
0x45: {  	_ =	shalt  }
0x46: {  	_ =	shalt  }
0x47: {  	_ =	shalt  }
0x48: {  	_ =	shalt  }
0x49: {  	_ =	shalt  }
0x4a: {  	_ =	shalt  }
0x4b: {  	_ =	shalt  }
0x4c: {  	_ =	shalt  }
0x4d: {  	_ =	shalt  }
0x4e: {  	_ =	shalt  }
0x4f: {  	_ =	shalt  }
0x50: {  	_ =	shalt  }
0x51: {  	_ =	shalt  }
0x52: {  	_ =	shalt  }
0x53: {  	_ =	shalt  }
0x54: {  	_ =	shalt  }
0x55: {  	_ =	shalt  }
0x56: {  	_ =	shalt  }
0x57: {  	_ =	shalt  }
0x58: {  	_ =	shalt  }
0x59: {  	_ =	shalt  }
0x5a: {  	_ =	shalt  }
0x5b: {  	_ =	shalt  }
0x5c: {  	_ =	shalt  }
0x5d: {  	_ =	shalt  }
0x5e: {  	_ =	shalt  }
0x5f: {  	_ =	shalt  }
0x60: {  	_ =	shalt  }
0x61: {  	_ =	shalt  }
0x62: {  	_ =	shalt  }
0x63: {  	_ =	shalt  }
0x64: {  	_ =	shalt  }
0x65: {  	_ =	shalt  }
0x66: {  	_ =	shalt  }
0x67: {  	_ =	shalt  }
0x68: {  	_ =	shalt  }
0x69: {  	_ =	shalt  }
0x6a: {  	_ =	shalt  }
0x6b: {  	_ =	shalt  }
0x6c: {  	_ =	shalt  }
0x6d: {  	_ =	shalt  }
0x6e: {  	_ =	shalt  }
0x6f: {  	_ =	shalt  }
0x70: {  	_ =	shalt  }
0x71: {  	_ =	shalt  }
0x72: {  	_ =	shalt  }
0x73: {  	_ =	shalt  }
0x74: {  	_ =	shalt  }
0x75: {  	_ =	shalt  }
0x76: {  	_ =	shalt  }
0x77: {  	_ =	shalt  }
0x78: {  	_ =	shalt  }
0x79: {  	_ =	shalt  }
0x7a: {  	_ =	shalt  }
0x7b: {  	_ =	shalt  }
0x7c: {  	_ =	shalt  }
0x7d: {  	_ =	shalt  }
0x7e: {  	_ =	shalt  }
0x7f: {  	_ =	shalt  }
0x80: {  	_ =	shalt  }
0x81: {  	_ =	shalt  }
0x82: {  	_ =	shalt  }
0x83: {  	_ =	shalt  }
0x84: {  	_ =	shalt  }
0x85: {  	_ =	shalt  }
0x86: {  	_ =	shalt  }
0x87: {  	_ =	shalt  }
.Lfunc_end0:
.L_simem_size_0:
called_computation.1_lowered:
.L_overlay_start_0:
0x88: {  	s2 =	sld [smem:$0x3FD9]  }
0x89: {  	s3 =	sld [smem:$0x3FFE];
	_ =	sdelay $0x1  }
0x8a: {  	s1 =	srdreg.scid  }
0x8b: {  	s0 =	sand.u32 $0x1, s1  }
0x8c: {  	s16 =	sshll.u32 s0, $0xA;
	s2 =	sadd.s32 s3, s2  }
0x8d: {  	s2 =	sadd.s32 s2, s16  }
0x8e: {  	[smem:$0x3FC4] =	sst s2  }
0x8f: {  	_ = 	snop  }
0x90: {  	(tm) =	ssettm $0x1  }
0x91: {  	s17 =	sld [smem:$0x3FFB];
	_ =	sdelay $0x3  }
0x92: {  	_ =	strace s17  }
0x93: {  	s2 =	sld [smem:$0x3FFC];
	_ =	sdelay $0x3  }
0x94: {  	_ =	strace s2  }
0x95: {  	s2 =	sld [smem:$0x3FFD];
	_ =	sdelay $0x3  }
0x96: {  	_ =	strace s2  }
0x97: {  	_ =	strace $0x8FFFFFFF  }
0x98: {  	s18 =	sld [smem:$0x3FDB];
	_ =	sdelay $0x1  }
0x99: {  	s19 =	simm.s32 $_scs_section_size  }
0x9a: {  	s4 =	simm.s32 $_size__tile_overlayer_lowered;
	s5 =	simm.s32 $_tile_overlayer_lowered  }
0x9b: {  	s22 =	simm.s32 $0x1BFF;
	s21 =	sshll.u32 s5, $0x1;
	s2 =	sadd.s32 s19, s18  }
0x9c: {  	s6 =	simm.s32 $0x0;
	s20 =	sshll.u32 s4, $0x1;
	s4 =	sadd.s32 s21, s2  }
0x9d: {  	[timem:s6], [sflag:s22] =	dma.local [hbm:s4], s20  }
0x9e: {  	_ =	swait.ge [sflag:s22], s20  }
0x9f: {  	s3 =	ssub.s32 $0x0, s20;
	[sflag:s22] =	ssyncset.done $0x0  }
0xa0: {  	[sflag:s22] =	ssyncadd.s32 s3;
	_ =	sdelay $0x1  }
0xa1: {  	s23 =	simm.s32 $0x1B8B  }
0xa2: {  	_ =	swait.ge [sflag:s23], $0x1  }
0xa3: {  	[sflag:s23] =	ssyncset.done $0x0  }
0xa4: {  	s25 =	simm.s32 $0x1B8E;
	s24 =	sld [smem:$0x3FFE];
	[sflag:s23] =	ssyncadd.s32 $0xFFFFFFFF  }
0xa5: {  	s26 =	simm.s32 $execute0_lowered;
	[smem:$0x3FD2] =	sst s25  }
0xa6: {  	s4 =	sshll.u32 s26, $0x1;
	_ =	strace $0x80000049;
	[dreg:$0x1] =	wrdreg $0xFFFFFFFF  }
0xa7: {  	s28 =	simm.s32 $_size_execute0_lowered;
	s2 =	sadd.s32 s2, s4;
	[dreg:$0x0] =	wrdreg $0x0  }
0xa8: {  	s4 =	sshll.u32 s28, $0x1;
	[dreg:$0x2] =	wrdreg s2  }
0xa9: {  	[dreg:$0x3] =	wrdreg s4  }
0xaa: {  	[dreg:$0x4] =	wrdreg $0xC0  }
0xab: {  	_ =	task [dreg:s6], $0x5FFFF  }
0xac: {  	[dreg:$0x1] =	wrdreg $0xFFFFFFFF  }
0xad: {  	[dreg:$0x0] =	wrdreg $0x60  }
0xae: {  	[dreg:$0x2] =	wrdreg s24  }
0xaf: {  	[dreg:$0x3] =	wrdreg $0x9  }
0xb0: {  	_ =	task.clear_ibuf [dreg:s6], $0x4FFFF;
	_ =	strace $0x90000049  }
0xb1: {  	s29 =	simm.s32 $0x9;
	_ =	strace $0x8000004B  }
0xb2: {  	_ =	swait.ge [sflag:s29], $0x1  }
0xb3: {  	[sflag:s29] =	ssyncadd.s32 $0xFFFFFFFF  }
0xb4: {  	_ =	strace $0x9000004B  }
0xb5: {  	_ =	sfence  }
0xb6: {  	s30 =	sld [smem:$0x0];
	_ =	sdelay $0x2  }
0xb7: {  	s31 =	sshll.u32 s1, $0xD;
	s1 =	sshrl.u32 s1, $0x2  }
0xb8: {  	s3 =	sand.u32 $0x4000, s31;
	s1 =	sadd.s32 s1, s30  }
0xb9: {  	s0 =	sor.u32 s3, s0;
	s1 =	sshll.u32 s1, $0x11  }
0xba: {  	s0 =	sor.u32 s1, s0  }
0xbb: {  	s0 =	sadd.s32 $0x8F2B, s0  }
0xbc: {  	[sflag:s0] =	ssyncadd.remote.s32 $0x1  }
0xbd: {  	_ =	sfence.sel $0xFFFF  }
0xbe: {  	[dreg:$0x0] =	wrdreg $0xFFFFFFFF;
	(pc) =	sbr.abs _section_cstart, $3  }
0xbf: {  	[dreg:$0x1] =	wrdreg $0xFFFFFFFF  }
0xc0: {  	_ =	task.clear_ibuf [dreg:s6], $0x2FFFF;
	_ =	strace $0x9FFFFFFF  }
0xc1: {  	(tm) =	ssettm $0x7FFFFFFF  }
tec
execute0_lowered:
.L_overlay_start_1:
0x0: {  	(tag) =	ssettag $0x1  }
0x1: {  	s4 =	rddreg [dreg:$0x0]  }
0x2: {  	s0 =	rddreg [dreg:$0x1];
	s1 =	simm.s32 $0x0  }
0x3: {  	s5 =	srdreg.scid;
	s11 =	simm.s32 $0x10000;
	s12 =	simm.s32 $0x400  }
0x4: {  	s13 =	simm.s32 $0x10400;
	s14 =	simm.s32 $0x10800;
	s15 =	simm.s32 $0x1  }
0x5: {  	s16 =	simm.s32 $0x14800;
	s17 =	simm.s32 $0x14C00;
	s18 =	simm.s32 $0x18C00  }
0x6: {  	s19 =	simm.s32 $0x0;
	[smem:$0x7FF] =	sst s1;
	s2 =	sadd.s32 $0x22600, s4  }
0x7: {  	s3 =	sadd.s32 $0x400, s4;
	s8 =	sand.u32 $0x1, s5;
	s5 =	sadd.s32 $0x20400, s4  }
0x8: {  	v1 =	vimm.s32 $0x7FFF;
	s6 =	sadd.s32 $0x142600, s4;
	s7 =	sadd.s32 $0x342600, s4;
	s9 =	ssub.s32 $0x2, s8  }
0x9: {  	s4 =	stileid.u32;
	_ =	strace $0x8000004A;
	s10 =	sshrl.u32 s9, $0x1  }
0xa: {  	v0 =	vlaneseq.u32;
	s31 =	sshll.u32 s4, $0x10;
	s8 =	sshll.u32 s8, $0xF;
	s9 =	ssub.s32 s9, s10  }
0xb: {  	v2 =	vimm.s32 $0x0;
	v3 =	vmul.u32 $0x10, v0;
	s8 =	sor.u32 s8, s31;
	s10 =	simm.s32 $0x2;
	s9 =	smax.u32 s9, $0x1  }
.LBB2_1:
0xc: {  	[tilespmem:s1], [sflag:$0x2] =	stream.linear.gather [hbm4b:s5+s1], $0x10000, $0x38;
	[tilespmem:$0x1AC00] =	vst v63  }
0xd: {  	_ =	swait.ge [sflag:s10], $0x10000  }
0xe: {  	[sflag:s10] =	ssyncset.done $0x0  }
0xf: {  	s20 =	simm.s32 $0x0;
	[sflag:s10] =	ssyncadd.s32 $0xFFFF0000  }
.LBB2_2:
0x10: {  	s21 =	sshll.u32 s20, $0xA  }
0x11: {  	s21 =	sadd.s32 s8, s21  }
0x12: {  	s22 =	sshrl.u32 s21, $0x3  }
0x13: {  	s22 =	sadd.s32 s2, s22  }
0x14: {  	[tilespmem:s11], [sflag:$0x2] =	stream.linear.gather [hbm4b:s22+s1], $0x400, $0x38;
	[tilespmem:$0x1AC00] =	vst v63  }
0x15: {  	_ =	swait.ge [sflag:s10], $0x400  }
0x16: {  	s23 =	simm.s32 $0x10010;
	[sflag:s10] =	ssyncset.done $0x0  }
0x17: {  	s24 =	simm.s32 $0x10410;
	s22 =	simm.s32 $0xFFFFFFFE;
	[sflag:s10] =	ssyncadd.s32 $0xFFFFFC00  }
.LBB2_3:
0x18: {  	v4 =	vld [tilespmem:s23+$0xFFFFFFF0]  }
0x19: {  	v5 =	vld.idx.msk [tilespmem:v1+s1+$0x0], $0xffff;
	_ =	sdelay $0x4  }
0x1a: {  	vm0 =	vle.f32 v5, v4  }
0x1b: {  	v5 =	vsel vm0, $0x8000, v2  }
0x1c: {  	v6 =	vor.u32 $0x3FFF, v5;
	_ =	sdelay $0x4  }
0x1d: {  	v6 =	vld.idx.msk [tilespmem:v6+s1+$0x0], $0xffff;
	_ =	sdelay $0x4  }
0x1e: {  	v35 =	vor.u32 $0x4000, v5;
	vm9 =	vle.f32 v6, v4  }
0x1f: {  	v5 =	vsel vm9, v35, v5  }
0x20: {  	v6 =	vor.u32 $0x1FFF, v5;
	_ =	sdelay $0x4  }
0x21: {  	v6 =	vld.idx.msk [tilespmem:v6+s1+$0x0], $0xffff;
	_ =	sdelay $0x4  }
0x22: {  	v36 =	vor.u32 $0x2000, v5;
	vm10 =	vle.f32 v6, v4  }
0x23: {  	v5 =	vsel vm10, v36, v5  }
0x24: {  	v6 =	vor.u32 $0xFFF, v5;
	_ =	sdelay $0x4  }
0x25: {  	v6 =	vld.idx.msk [tilespmem:v6+s1+$0x0], $0xffff;
	_ =	sdelay $0x4  }
0x26: {  	v37 =	vor.u32 $0x1000, v5;
	vm11 =	vle.f32 v6, v4  }
0x27: {  	v5 =	vsel vm11, v37, v5  }
0x28: {  	v6 =	vadd.s32 $0x7FF, v5;
	_ =	sdelay $0x4  }
0x29: {  	v6 =	vld.idx.msk [tilespmem:v6+s1+$0x0], $0xffff;
	_ =	sdelay $0x4  }
0x2a: {  	v38 =	vadd.s32 $0x800, v5;
	vm12 =	vle.f32 v6, v4  }
0x2b: {  	v5 =	vsel vm12, v38, v5  }
0x2c: {  	v6 =	vadd.s32 $0x3FF, v5;
	_ =	sdelay $0x4  }
0x2d: {  	v6 =	vld.idx.msk [tilespmem:v6+s1+$0x0], $0xffff;
	_ =	sdelay $0x4  }
0x2e: {  	v39 =	vadd.s32 $0x400, v5;
	vm13 =	vle.f32 v6, v4  }
0x2f: {  	v5 =	vsel vm13, v39, v5  }
0x30: {  	v6 =	vadd.s32 $0x1FF, v5;
	_ =	sdelay $0x4  }
0x31: {  	v6 =	vld.idx.msk [tilespmem:v6+s1+$0x0], $0xffff;
	_ =	sdelay $0x4  }
0x32: {  	v40 =	vadd.s32 $0x200, v5;
	vm14 =	vle.f32 v6, v4  }
0x33: {  	v5 =	vsel vm14, v40, v5  }
0x34: {  	v6 =	vadd.s32 $0xFF, v5;
	_ =	sdelay $0x4  }
0x35: {  	v6 =	vld.idx.msk [tilespmem:v6+s1+$0x0], $0xffff;
	_ =	sdelay $0x4  }
0x36: {  	v41 =	vadd.s32 $0x100, v5;
	vm15 =	vle.f32 v6, v4  }
0x37: {  	v5 =	vsel vm15, v41, v5  }
0x38: {  	v6 =	vadd.s32 $0x7F, v5;
	_ =	sdelay $0x4  }
0x39: {  	v6 =	vld.idx.msk [tilespmem:v6+s1+$0x0], $0xffff;
	_ =	sdelay $0x4  }
0x3a: {  	v42 =	vadd.s32 $0x80, v5;
	vm4 =	vle.f32 v6, v4  }
0x3b: {  	v5 =	vsel vm4, v42, v5  }
0x3c: {  	v6 =	vadd.s32 $0x3F, v5;
	_ =	sdelay $0x4  }
0x3d: {  	v6 =	vld.idx.msk [tilespmem:v6+s1+$0x0], $0xffff;
	_ =	sdelay $0x4  }
0x3e: {  	v43 =	vadd.s32 $0x40, v5;
	vm5 =	vle.f32 v6, v4  }
0x3f: {  	v5 =	vsel vm5, v43, v5  }
0x40: {  	v6 =	vadd.s32 $0x1F, v5;
	_ =	sdelay $0x4  }
0x41: {  	v6 =	vld.idx.msk [tilespmem:v6+s1+$0x0], $0xffff;
	_ =	sdelay $0x4  }
0x42: {  	v44 =	vadd.s32 $0x20, v5;
	vm6 =	vle.f32 v6, v4  }
0x43: {  	v5 =	vsel vm6, v44, v5  }
0x44: {  	v6 =	vadd.s32 $0xF, v5;
	_ =	sdelay $0x4  }
0x45: {  	v6 =	vld.idx.msk [tilespmem:v6+s1+$0x0], $0xffff;
	_ =	sdelay $0x4  }
0x46: {  	v45 =	vadd.s32 $0x10, v5;
	vm7 =	vle.f32 v6, v4  }
0x47: {  	v5 =	vsel vm7, v45, v5  }
0x48: {  	v6 =	vadd.s32 $0x7, v5;
	_ =	sdelay $0x4  }
0x49: {  	v6 =	vld.idx.msk [tilespmem:v6+s1+$0x0], $0xffff;
	_ =	sdelay $0x4  }
0x4a: {  	v46 =	vadd.s32 $0x8, v5;
	vm8 =	vle.f32 v6, v4  }
0x4b: {  	v5 =	vsel vm8, v46, v5  }
0x4c: {  	v6 =	vadd.s32 $0x3, v5;
	_ =	sdelay $0x4  }
0x4d: {  	v6 =	vld.idx.msk [tilespmem:v6+s1+$0x0], $0xffff;
	_ =	sdelay $0x4  }
0x4e: {  	v47 =	vadd.s32 $0x4, v5;
	vm9 =	vle.f32 v6, v4  }
0x4f: {  	v5 =	vsel vm9, v47, v5  }
0x50: {  	v6 =	vadd.s32 $0x1, v5;
	_ =	sdelay $0x4  }
0x51: {  	v6 =	vld.idx.msk [tilespmem:v6+s1+$0x0], $0xffff;
	_ =	sdelay $0x4  }
0x52: {  	v48 =	vadd.s32 $0x2, v5;
	vm10 =	vle.f32 v6, v4  }
0x53: {  	v5 =	vsel vm10, v48, v5;
	_ =	sdelay $0x4  }
0x54: {  	v6 =	vld.idx.msk [tilespmem:v5+s1+$0x0], $0xffff;
	_ =	sdelay $0x4  }
0x55: {  	vm11 =	vle.f32 v6, v4  }
0x56: {  	v4 =	vsel vm11, $0x1, v2  }
0x57: {  	v4 =	vadd.s32 v4, v5  }
0x58: {  	v4 =	vmin.u32 v4, $0xFFFF  }
0x59: {  	[tilespmem:s24+$0xFFFFFFF0] =	vst v4  }
0x5a: {  	v4 =	vld [tilespmem:s23+$0x0]  }
0x5b: {  	v5 =	vld.idx.msk [tilespmem:v1+s1+$0x0], $0xffff;
	_ =	sdelay $0x4  }
0x5c: {  	vm12 =	vle.f32 v5, v4  }
0x5d: {  	v5 =	vsel vm12, $0x8000, v2  }
0x5e: {  	v49 =	vor.u32 $0x3FFF, v5;
	_ =	sdelay $0x4  }
0x5f: {  	v6 =	vld.idx.msk [tilespmem:v49+s1+$0x0], $0xffff;
	_ =	sdelay $0x4  }
0x60: {  	v50 =	vor.u32 $0x4000, v5;
	vm13 =	vle.f32 v6, v4  }
0x61: {  	v5 =	vsel vm13, v50, v5  }
0x62: {  	v6 =	vor.u32 $0x1FFF, v5;
	_ =	sdelay $0x4  }
0x63: {  	v6 =	vld.idx.msk [tilespmem:v6+s1+$0x0], $0xffff;
	_ =	sdelay $0x4  }
0x64: {  	v51 =	vor.u32 $0x2000, v5;
	vm14 =	vle.f32 v6, v4  }
0x65: {  	v5 =	vsel vm14, v51, v5  }
0x66: {  	v6 =	vor.u32 $0xFFF, v5;
	_ =	sdelay $0x4  }
0x67: {  	v6 =	vld.idx.msk [tilespmem:v6+s1+$0x0], $0xffff;
	_ =	sdelay $0x4  }
0x68: {  	v52 =	vor.u32 $0x1000, v5;
	vm15 =	vle.f32 v6, v4  }
0x69: {  	v5 =	vsel vm15, v52, v5  }
0x6a: {  	v6 =	vadd.s32 $0x7FF, v5;
	_ =	sdelay $0x4  }
0x6b: {  	v6 =	vld.idx.msk [tilespmem:v6+s1+$0x0], $0xffff;
	_ =	sdelay $0x4  }
0x6c: {  	v53 =	vadd.s32 $0x800, v5;
	vm4 =	vle.f32 v6, v4  }
0x6d: {  	v5 =	vsel vm4, v53, v5  }
0x6e: {  	v6 =	vadd.s32 $0x3FF, v5;
	_ =	sdelay $0x4  }
0x6f: {  	v6 =	vld.idx.msk [tilespmem:v6+s1+$0x0], $0xffff;
	_ =	sdelay $0x4  }
0x70: {  	v54 =	vadd.s32 $0x400, v5;
	vm5 =	vle.f32 v6, v4  }
0x71: {  	v5 =	vsel vm5, v54, v5  }
0x72: {  	v6 =	vadd.s32 $0x1FF, v5;
	_ =	sdelay $0x4  }
0x73: {  	v6 =	vld.idx.msk [tilespmem:v6+s1+$0x0], $0xffff;
	_ =	sdelay $0x4  }
0x74: {  	v55 =	vadd.s32 $0x200, v5;
	vm6 =	vle.f32 v6, v4  }
0x75: {  	v5 =	vsel vm6, v55, v5  }
0x76: {  	v6 =	vadd.s32 $0xFF, v5;
	_ =	sdelay $0x4  }
0x77: {  	v6 =	vld.idx.msk [tilespmem:v6+s1+$0x0], $0xffff;
	_ =	sdelay $0x4  }
0x78: {  	v56 =	vadd.s32 $0x100, v5;
	vm7 =	vle.f32 v6, v4  }
0x79: {  	v5 =	vsel vm7, v56, v5  }
0x7a: {  	v6 =	vadd.s32 $0x7F, v5;
	_ =	sdelay $0x4  }
0x7b: {  	v6 =	vld.idx.msk [tilespmem:v6+s1+$0x0], $0xffff;
	_ =	sdelay $0x4  }
0x7c: {  	v57 =	vadd.s32 $0x80, v5;
	vm8 =	vle.f32 v6, v4  }
0x7d: {  	v5 =	vsel vm8, v57, v5  }
0x7e: {  	v6 =	vadd.s32 $0x3F, v5;
	_ =	sdelay $0x4  }
0x7f: {  	v6 =	vld.idx.msk [tilespmem:v6+s1+$0x0], $0xffff;
	_ =	sdelay $0x4  }
0x80: {  	v58 =	vadd.s32 $0x40, v5;
	vm9 =	vle.f32 v6, v4  }
0x81: {  	v5 =	vsel vm9, v58, v5  }
0x82: {  	v6 =	vadd.s32 $0x1F, v5;
	_ =	sdelay $0x4  }
0x83: {  	v6 =	vld.idx.msk [tilespmem:v6+s1+$0x0], $0xffff;
	_ =	sdelay $0x4  }
0x84: {  	v59 =	vadd.s32 $0x20, v5;
	vm10 =	vle.f32 v6, v4  }
0x85: {  	v5 =	vsel vm10, v59, v5  }
0x86: {  	v6 =	vadd.s32 $0xF, v5;
	_ =	sdelay $0x4  }
0x87: {  	v6 =	vld.idx.msk [tilespmem:v6+s1+$0x0], $0xffff;
	_ =	sdelay $0x4  }
0x88: {  	v60 =	vadd.s32 $0x10, v5;
	vm11 =	vle.f32 v6, v4  }
0x89: {  	v5 =	vsel vm11, v60, v5  }
0x8a: {  	v6 =	vadd.s32 $0x7, v5;
	_ =	sdelay $0x4  }
0x8b: {  	v6 =	vld.idx.msk [tilespmem:v6+s1+$0x0], $0xffff;
	_ =	sdelay $0x4  }
0x8c: {  	v61 =	vadd.s32 $0x8, v5;
	vm12 =	vle.f32 v6, v4  }
0x8d: {  	v5 =	vsel vm12, v61, v5  }
0x8e: {  	v6 =	vadd.s32 $0x3, v5;
	_ =	sdelay $0x4  }
0x8f: {  	v6 =	vld.idx.msk [tilespmem:v6+s1+$0x0], $0xffff;
	_ =	sdelay $0x4  }
0x90: {  	v62 =	vadd.s32 $0x4, v5;
	vm13 =	vle.f32 v6, v4  }
0x91: {  	v5 =	vsel vm13, v62, v5  }
0x92: {  	v6 =	vadd.s32 $0x1, v5;
	_ =	sdelay $0x4  }
0x93: {  	v6 =	vld.idx.msk [tilespmem:v6+s1+$0x0], $0xffff;
	_ =	sdelay $0x4  }
0x94: {  	v63 =	vadd.s32 $0x2, v5;
	vm14 =	vle.f32 v6, v4  }
0x95: {  	v5 =	vsel vm14, v63, v5;
	_ =	sdelay $0x4  }
0x96: {  	v6 =	vld.idx.msk [tilespmem:v5+s1+$0x0], $0xffff;
	_ =	sdelay $0x2  }
0x97: {  	s22 =	sadd.s32 $0x2, s22  }
0x98: {  	p0 =	slt.u32 s22, $0x3E  }
.Ltmp0:
0x99: {  	vm15 =	vle.f32 v6, v4;
	(pc) =	sbr.rel @p0 .LBB2_3-.Ltmp0, $4  }
0x9a: {  	v4 =	vsel vm15, $0x1, v2  }
0x9b: {  	v4 =	vadd.s32 v4, v5  }
0x9c: {  	v4 =	vmin.u32 v4, $0xFFFF  }
0x9d: {  	s23 =	sadd.s32 $0x20, s23;
	[tilespmem:s24+$0x0] =	vst v4;
	s24 =	sadd.s32 $0x20, s24  }
0x9e: {  	[tilespmem:s14], [sflag:$0x1] =	stream.indirect.gather [hbm4b:s3+s12], $0x10, s13, s12, $0xb8;
	[tilespmem:$0x1AC00] =	vst v63  }
0x9f: {  	s22 =	simm.s32 $0xFFFFFFFE;
	_ =	swait.ge [sflag:s15], $0x4000  }
0xa0: {  	s23 =	simm.s32 $0x10010;
	s24 =	simm.s32 $0x10410;
	[sflag:s15] =	ssyncset.done $0x0  }
0xa1: {  	s25 =	simm.s32 $0x14810;
	s26 =	simm.s32 $0x10;
	[sflag:s15] =	ssyncadd.s32 $0xFFFFC000  }
.LBB2_5:
0xa2: {  	s28 =	sadd.s32 $0xFFFFFFF0, s26  }
0xa3: {  	v4 =	vmov s28  }
0xa4: {  	v4 =	vshll.u32 v4, $0x4  }
0xa5: {  	v4 =	vor.u32 v3, v4  }
0xa6: {  	v5 =	vor.u32 $0x7, v4;
	_ =	sdelay $0x3  }
0xa7: {  	v6 =	vld [tilespmem:s23+$0xFFFFFFF0]  }
0xa8: {  	v5 =	vld.idx.msk [tilespmem:v5+s14+$0x0], $0xffff;
	_ =	sdelay $0x4  }
0xa9: {  	vm0 =	vle.f32 v5, v6  }
0xaa: {  	v5 =	vsel vm0, $0x8, v2  }
0xab: {  	v7 =	vor.u32 v4, v5  }
0xac: {  	v8 =	vor.u32 $0x3, v7;
	_ =	sdelay $0x4  }
0xad: {  	v8 =	vld.idx.msk [tilespmem:v8+s14+$0x0], $0xffff;
	_ =	sdelay $0x4  }
0xae: {  	v55 =	vor.u32 $0x4, v5;
	vm5 =	vle.f32 v8, v6  }
0xaf: {  	v5 =	vsel vm5, v55, v5  }
0xb0: {  	v8 =	vand.u32 $0x4, v5  }
0xb1: {  	v7 =	vor.u32 v8, v7  }
0xb2: {  	v7 =	vor.u32 $0x1, v7;
	_ =	sdelay $0x4  }
0xb3: {  	v7 =	vld.idx.msk [tilespmem:v7+s14+$0x0], $0xffff;
	_ =	sdelay $0x4  }
0xb4: {  	v56 =	vor.u32 $0x2, v5;
	vm6 =	vle.f32 v7, v6  }
0xb5: {  	v5 =	vsel vm6, v56, v5  }
0xb6: {  	v7 =	vor.u32 v4, v5;
	_ =	sdelay $0x4  }
0xb7: {  	v7 =	vld.idx.msk [tilespmem:v7+s14+$0x0], $0xffff;
	_ =	sdelay $0x4  }
0xb8: {  	vm7 =	vle.f32 v7, v6  }
0xb9: {  	v7 =	vsel vm7, $0x1, v2  }
0xba: {  	v5 =	vor.u32 v7, v5  }
0xbb: {  	v4 =	vor.u32 v4, v5;
	_ =	sdelay $0x4  }
0xbc: {  	v4 =	vld.idx.msk [tilespmem:v4+s14+$0x0], $0xffff  }
0xbd: {  	v57 =	vld [tilespmem:s24+$0xFFFFFFF0];
	_ =	sdelay $0x3  }
0xbe: {  	vm8 =	vle.f32 v4, v6;
	v4 =	vmov s26  }
0xbf: {  	v7 =	vshll.u32 v57, $0x4;
	v6 =	vsel vm8, $0x1, v2;
	v4 =	vshll.u32 v4, $0x4  }
0xc0: {  	v6 =	vor.u32 v6, v7;
	v4 =	vor.u32 v3, v4  }
0xc1: {  	v5 =	vadd.s32 v5, v6;
	v58 =	vor.u32 $0x7, v4  }
0xc2: {  	vm9 =	vlt.s32 v5, $0xFFFFF  }
0xc3: {  	v5 =	vnsel vm9, $0xFFFFF, v5  }
0xc4: {  	[tilespmem:s25+$0xFFFFFFF0] =	vst v5  }
0xc5: {  	v5 =	vld [tilespmem:s23+$0x0]  }
0xc6: {  	v6 =	vld.idx.msk [tilespmem:v58+s14+$0x0], $0xffff;
	_ =	sdelay $0x4  }
0xc7: {  	vm10 =	vle.f32 v6, v5  }
0xc8: {  	v6 =	vsel vm10, $0x8, v2  }
0xc9: {  	v59 =	vor.u32 v4, v6  }
0xca: {  	v60 =	vor.u32 $0x3, v59;
	_ =	sdelay $0x4  }
0xcb: {  	v8 =	vld.idx.msk [tilespmem:v60+s14+$0x0], $0xffff;
	_ =	sdelay $0x4  }
0xcc: {  	v61 =	vor.u32 $0x4, v6;
	vm11 =	vle.f32 v8, v5  }
0xcd: {  	v6 =	vsel vm11, v61, v6  }
0xce: {  	v8 =	vand.u32 $0x4, v6  }
0xcf: {  	v7 =	vor.u32 v8, v59  }
0xd0: {  	v7 =	vor.u32 $0x1, v7;
	_ =	sdelay $0x4  }
0xd1: {  	v7 =	vld.idx.msk [tilespmem:v7+s14+$0x0], $0xffff;
	_ =	sdelay $0x4  }
0xd2: {  	v62 =	vor.u32 $0x2, v6;
	vm12 =	vle.f32 v7, v5  }
0xd3: {  	v6 =	vsel vm12, v62, v6  }
0xd4: {  	v7 =	vor.u32 v4, v6;
	_ =	sdelay $0x4  }
0xd5: {  	v7 =	vld.idx.msk [tilespmem:v7+s14+$0x0], $0xffff;
	_ =	sdelay $0x4  }
0xd6: {  	vm13 =	vle.f32 v7, v5  }
0xd7: {  	v7 =	vsel vm13, $0x1, v2  }
0xd8: {  	v6 =	vor.u32 v7, v6  }
0xd9: {  	v4 =	vor.u32 v4, v6;
	_ =	sdelay $0x4  }
0xda: {  	v4 =	vld.idx.msk [tilespmem:v4+s14+$0x0], $0xffff  }
0xdb: {  	v63 =	vld [tilespmem:s24+$0x0];
	_ =	sdelay $0x3  }
0xdc: {  	s22 =	sadd.s32 $0x2, s22;
	vm14 =	vle.f32 v4, v5  }
0xdd: {  	p0 =	slt.u32 s22, $0x3E;
	v5 =	vshll.u32 v63, $0x4;
	v4 =	vsel vm14, $0x1, v2  }
.Ltmp1:
0xde: {  	v4 =	vor.u32 v4, v5;
	(pc) =	sbr.rel @p0 .LBB2_5-.Ltmp1, $4  }
0xdf: {  	v4 =	vadd.s32 v6, v4  }
0xe0: {  	vm15 =	vlt.s32 v4, $0xFFFFF  }
0xe1: {  	s26 =	sadd.s32 $0x20, s26;
	v4 =	vnsel vm15, $0xFFFFF, v4  }
0xe2: {  	s23 =	sadd.s32 $0x20, s23;
	s24 =	sadd.s32 $0x20, s24;
	[tilespmem:s25+$0x0] =	vst v4;
	s25 =	sadd.s32 $0x20, s25  }
0xe3: {  	s22 =	simm.s32 $0x0  }
0xe4: {  	v4 =	vor.u32 s22, v0  }
0xe5: {  	v5 =	vshll.u32 v4, $0x4  }
0xe6: {  	[tilespmem:s17], [sflag:$0x1] =	stream.indirect.gather [hbm4b:s6+s12], $0x10, s16, s12, $0xb8;
	[tilespmem:$0x1AC00] =	vst v63  }
0xe7: {  	_ =	swait.ge [sflag:s15], $0x4000  }
0xe8: {  	[sflag:s15] =	ssyncset.done $0x0  }
0xe9: {  	[sflag:s15] =	ssyncadd.s32 $0xFFFFC000  }
0xea: {  	v4 =	vshll.u32 v4, $0x3;
	v6 =	vld.idx.msk [tilespmem:v5+s17+$0x0], $0xffff  }
0xeb: {  	v7 =	vor.u32 $0x1, v5;
	_ =	sdelay $0x3  }
0xec: {  	[tilespmem:v4+s18+$0x0] =	vst.idx.msk $0xffff, v6  }
0xed: {  	v6 =	vld.idx.msk [tilespmem:v7+s17+$0x0], $0xffff;
	v7 =	vor.u32 $0x1, v4  }
0xee: {  	v8 =	vor.u32 $0x2, v5;
	_ =	sdelay $0x3  }
0xef: {  	[tilespmem:v7+s18+$0x0] =	vst.idx.msk $0xffff, v6  }
0xf0: {  	v7 =	vor.u32 $0x2, v4;
	v6 =	vld.idx.msk [tilespmem:v8+s17+$0x0], $0xffff  }
0xf1: {  	v5 =	vor.u32 $0x3, v5;
	_ =	sdelay $0x3  }
0xf2: {  	s31 =	simm.s32 $0x10;
	[tilespmem:v7+s18+$0x0] =	vst.idx.msk $0xffff, v6  }
0xf3: {  	v4 =	vor.u32 $0x3, v4;
	v6 =	vor.u32 s31, v0;
	v5 =	vld.idx.msk [tilespmem:v5+s17+$0x0], $0xffff  }
0xf4: {  	v7 =	vshll.u32 v6, $0x4;
	_ =	sdelay $0x3  }
0xf5: {  	[tilespmem:v4+s18+$0x0] =	vst.idx.msk $0xffff, v5  }
0xf6: {  	v4 =	vshll.u32 v6, $0x3;
	v5 =	vld.idx.msk [tilespmem:v7+s17+$0x0], $0xffff  }
0xf7: {  	v6 =	vor.u32 $0x1, v7;
	_ =	sdelay $0x3  }
0xf8: {  	[tilespmem:v4+s18+$0x0] =	vst.idx.msk $0xffff, v5  }
0xf9: {  	v5 =	vld.idx.msk [tilespmem:v6+s17+$0x0], $0xffff;
	v6 =	vor.u32 $0x1, v4  }
0xfa: {  	v62 =	vor.u32 $0x2, v7;
	_ =	sdelay $0x3  }
0xfb: {  	[tilespmem:v6+s18+$0x0] =	vst.idx.msk $0xffff, v5  }
0xfc: {  	v63 =	vor.u32 $0x2, v4;
	v6 =	vld.idx.msk [tilespmem:v62+s17+$0x0], $0xffff  }
0xfd: {  	v5 =	vor.u32 $0x3, v7;
	_ =	sdelay $0x3  }
0xfe: {  	s23 =	simm.s32 $0x30;
	s22 =	simm.s32 $0x0;
	[tilespmem:v63+s18+$0x0] =	vst.idx.msk $0xffff, v6  }
.LBB2_7:
0xff: {  	s24 =	sadd.s32 $0xFFFFFFF0, s23;
	s22 =	sadd.s32 $0x2, s22;
	v5 =	vld.idx.msk [tilespmem:v5+s17+$0x0], $0xffff  }
0x100: {  	v4 =	vor.u32 $0x3, v4;
	v6 =	vor.u32 s24, v0;
	p0 =	slt.u32 s22, $0x3E  }
0x101: {  	v7 =	vshll.u32 v6, $0x4;
	_ =	sdelay $0x3  }
0x102: {  	[tilespmem:v4+s18+$0x0] =	vst.idx.msk $0xffff, v5  }
0x103: {  	v4 =	vld.idx.msk [tilespmem:v7+s17+$0x0], $0xffff  }
0x104: {  	v5 =	vshll.u32 v6, $0x3  }
0x105: {  	v6 =	vor.u32 $0x1, v7;
	_ =	sdelay $0x3  }
0x106: {  	[tilespmem:v5+s18+$0x0] =	vst.idx.msk $0xffff, v4  }
0x107: {  	v4 =	vld.idx.msk [tilespmem:v6+s17+$0x0], $0xffff  }
0x108: {  	v6 =	vor.u32 $0x1, v5  }
0x109: {  	v8 =	vor.u32 $0x2, v7;
	_ =	sdelay $0x3  }
0x10a: {  	[tilespmem:v6+s18+$0x0] =	vst.idx.msk $0xffff, v4  }
0x10b: {  	v4 =	vld.idx.msk [tilespmem:v8+s17+$0x0], $0xffff  }
0x10c: {  	v6 =	vor.u32 $0x2, v5  }
0x10d: {  	v7 =	vor.u32 $0x3, v7;
	_ =	sdelay $0x3  }
0x10e: {  	[tilespmem:v6+s18+$0x0] =	vst.idx.msk $0xffff, v4  }
0x10f: {  	v4 =	vld.idx.msk [tilespmem:v7+s17+$0x0], $0xffff  }
0x110: {  	v5 =	vor.u32 $0x3, v5;
	v6 =	vor.u32 s23, v0  }
0x111: {  	v7 =	vshll.u32 v6, $0x4;
	_ =	sdelay $0x3  }
0x112: {  	[tilespmem:v5+s18+$0x0] =	vst.idx.msk $0xffff, v4  }
0x113: {  	v5 =	vld.idx.msk [tilespmem:v7+s17+$0x0], $0xffff  }
0x114: {  	v4 =	vshll.u32 v6, $0x3  }
0x115: {  	v6 =	vor.u32 $0x1, v7;
	_ =	sdelay $0x3  }
0x116: {  	[tilespmem:v4+s18+$0x0] =	vst.idx.msk $0xffff, v5  }
0x117: {  	v5 =	vld.idx.msk [tilespmem:v6+s17+$0x0], $0xffff  }
0x118: {  	v6 =	vor.u32 $0x1, v4  }
0x119: {  	v8 =	vor.u32 $0x2, v7;
	_ =	sdelay $0x3  }
0x11a: {  	[tilespmem:v6+s18+$0x0] =	vst.idx.msk $0xffff, v5  }
0x11b: {  	v6 =	vld.idx.msk [tilespmem:v8+s17+$0x0], $0xffff  }
0x11c: {  	v8 =	vor.u32 $0x2, v4  }
.Ltmp2:
0x11d: {  	v5 =	vor.u32 $0x3, v7;
	(pc) =	sbr.rel @p0 .LBB2_7-.Ltmp2, $2  }
0x11e: {  	_ =	sdelay $0x2  }
0x11f: {  	s23 =	sadd.s32 $0x20, s23;
	[tilespmem:v8+s18+$0x0] =	vst.idx.msk $0xffff, v6  }
0x120: {  	_ =	sdelay $0x3  }
0x121: {  	v5 =	vld.idx.msk [tilespmem:v5+s17+$0x0], $0xffff;
	v4 =	vor.u32 $0x3, v4;
	_ =	sdelay $0x2  }
0x122: {  	s20 =	sadd.s32 $0x1, s20  }
0x123: {  	p0 =	sne.s32 s20, $0x20  }
.Ltmp3:
0x124: {  	s21 =	sadd.s32 s7, s21;
	[tilespmem:v4+s18+$0x0] =	vst.idx.msk $0xffff, v5;
	(pc) =	sbr.rel @p0 .LBB2_2-.Ltmp3, $4  }
0x125: {  	[hbm4b:s21+s1] =	stream.linear.scatter [tilespmem:s18], [sflag:$0x2], $0x2000, $0x38;
	[tilespmem:$0x1AC00] =	vst v63  }
0x126: {  	_ =	swait.ge [sflag:s10], $0x2000  }
0x127: {  	[sflag:s10] =	ssyncset.done $0x0  }
0x128: {  	[sflag:s10] =	ssyncadd.s32 $0xFFFFE000  }
0x129: {  	s19 =	sadd.s32 $0x1, s19  }
0x12a: {  	p0 =	sne.s32 s19, s9  }
.Ltmp4:
0x12b: {  	_ = 	snop;
	(pc) =	sbr.rel @p0 .LBB2_1-.Ltmp4, $1  }
0x12c: {  	_ =	sdelay $0x3  }
0x12d: {  	_ =	sfence.sel $0x180000  }
0x12e: {  	[bflag:$0x0] =	sbarrier.arrive $0xFFFF  }
0x12f: {  	p0 =	sne.s32 s4, $0x0;
	_ =	strace $0x9000004A  }
0x130: {  	s0 =	sadd.s32 @!p0 $0x100000, s0;
	[bflag:$0x2] =	sbarrier.arrive $0xFFFF  }
0x131: {  	[sflag:s0] =	ssyncadd.tile.s32 @!p0 $0x1;
	_ =	shalt  }
.Lfunc_end2:
_tile_overlayer_lowered:
.L_overlay_start_2:
0x132: {  	(tag) =	ssettag $0x2  }
0x133: {  	s0 =	rddreg [dreg:$0x0];
	s2 =	stileid.u32  }
0x134: {  	s1 =	rddreg [dreg:$0x1];
	p0 =	sne.s32 s2, $0x0  }
0x135: {  	s3 =	rddreg [dreg:$0x2];
	[bflag:$0x3] =	sbarrier.arrive $0xFFFF;
	s2 =	simm.s32 @!p0 $0x1C02  }
0x136: {  	[timem:s3], [sflag:s2] =	dma.local @!p0 [hbm:s0], s1  }
0x137: {  	s0 =	simm.s32 @!p0 $0x2  }
0x138: {  	_ =	swait.ge @!p0 [sflag:s0], s1  }
0x139: {  	s1 =	ssub.s32 @!p0 $0x0, s1;
	[sflag:s0] =	ssyncset.done @!p0 $0x0  }
0x13a: {  	[sflag:s0] =	ssyncadd.s32 @!p0 s1  }
0x13b: {  	[bflag:$0x3] =	sbarrier.arrive $0xFFFF  }
0x13c: {  	_ =	shalt  }

// kernel: kernel.4.cloned.1.call-start
scs
__scs_entry_jumppad:
0x0: {  	(pc) =	sbr.rel $0x88, $3  }
0x1: {  	(tag) =	ssettag $0x0;
	lr =	simm.s32 $0x1  }
0x2: {  	[smem:$0x3F9D] =	sst lr;
	_ =	strace $0xD0000000  }
0x3: {  	_ = 	snop  }
0x4: {  	_ = 	snop  }
0x5: {  	_ = 	snop  }
0x6: {  	_ = 	snop  }
0x7: {  	_ = 	snop  }
__scs_overlays_trampoline_lowered:
0x8: {  	[smem:$0x3FAC] =	sst s0  }
0x9: {  	[smem:$0x3FAD] =	sst s1  }
0xa: {  	[smem:$0x3FAE] =	sst s2  }
0xb: {  	[smem:$0x3FAF] =	sst s3  }
0xc: {  	[smem:$0x3FB0] =	sst s4  }
0xd: {  	[smem:$0x3FB1] =	sst s5  }
0xe: {  	[smem:$0x3FB2] =	sst s6  }
0xf: {  	[smem:$0x3FB3] =	sst s7  }
0x10: {  	[smem:$0x3FB4] =	sst s8  }
0x11: {  	[smem:$0x3FB5] =	sst s9;
	s0 =	simm.s32 @!p0 $0x0  }
0x12: {  	s1 =	sld [smem:$0x3F9B];
	s0 =	simm.s32 @p0 $0x1  }
0x13: {  	[smem:$0x3FB6] =	sst s0;
	s0 =	simm.s32 @!p1 $0x0  }
0x14: {  	s2 =	sld [smem:$0x3F9A];
	s0 =	simm.s32 @p1 $0x1  }
0x15: {  	[smem:$0x3FB7] =	sst s0;
	s0 =	simm.s32 @!p2 $0x0  }
0x16: {  	s3 =	sld [smem:$0x3FDB];
	s0 =	simm.s32 @p2 $0x1  }
0x17: {  	s4 =	simm.s32 $0x1BF5;
	[smem:$0x3FB9] =	sst s0  }
0x18: {  	s0 =	sld [smem:$0x3F9C];
	_ =	swait.ge [sflag:s4], $0x0  }
0x19: {  	s7 =	sld [smem:$0x3F9D]  }
0x1a: {  	s8 =	sadd.s32 $0xFFFFE003, lr  }
0x1b: {  	s9 =	sadd.s32 $0xFFFFFEF7, lr;
	s5 =	simm.s32 $0xFFFFFFFF;
	p2 =	slt.u32 s8, $0xFFFFF086  }
0x1c: {  	p1 =	slt.u32 s9, $0xF7A;
	s5 =	simm.s32 @!p2 $0x0  }
0x1d: {  	s5 =	simm.s32 @p1 $0x1;
	p0 =	seq.s32 s7, s2  }
0x1e: {  	s7 =	smul.u32 @!p0 $0xF7A, s2;
	p2 =	seq.s32 @!p0 s5, $0x0  }
0x1f: {  	s9 =	smul.u32 $0xF7A, s1;
	s8 =	simm.s32 @!p0 $0x1BF5;
	p2 =	por !p2, p0  }
0x20: {  	[sflag:s8] =	ssyncset.s32 @!p0 $0xFFFFF086;
	s6 =	sadd.s32 @!p0 s3, s7;
	s7 =	simm.s32 @!p0 $0x108  }
0x21: {  	s3 =	sadd.s32 s3, s9;
	s6 =	sadd.s32 @!p0 $0x88, s6;
	s7 =	simm.s32 @p2 $0x1082  }
0x22: {  	[simem:s7], [sflag:s8] =	dma.local @!p0 [hbm:s6], $0xF7A  }
0x23: {  	s9 =	sor.u32 $0xD0000000, s2;
	s6 =	simm.s32 $0x108;
	_ =	swait.ge @!p0 [sflag:s8], $0x0  }
0x24: {  	s3 =	sadd.s32 $0x88, s3;
	s6 =	simm.s32 @!p1 $0x1082;
	[sflag:s4] =	ssyncset.s32 $0xFFFFF086  }
0x25: {  	[simem:s6], [sflag:s4] =	dma.local [hbm:s3], $0xF7A  }
0x26: {  	[smem:$0x3F9D] =	sst s1;
	(tag) =	ssettag s2;
	_ =	strace s9  }
0x27: {  	s1 =	sld [smem:$0x3FAD]  }
0x28: {  	s2 =	sld [smem:$0x3FAE]  }
0x29: {  	s4 =	sld [smem:$0x3FB0]  }
0x2a: {  	p0 =	seq.s32 s5, $0x0;
	s5 =	sld [smem:$0x3FB1]  }
0x2b: {  	s6 =	sld [smem:$0x3FB2]  }
0x2c: {  	s7 =	sld [smem:$0x3FB3]  }
0x2d: {  	s3 =	simm.s32 $0x108;
	s8 =	sld [smem:$0x3FB4]  }
0x2e: {  	s3 =	simm.s32 @!p0 $0x1082;
	s9 =	sld [smem:$0x3FB5]  }
0x2f: {  	lr =	sadd.s32 s0, s3;
	s0 =	sld [smem:$0x3FAC]  }
0x30: {  	s3 =	sld [smem:$0x3FAF]  }
0x31: {  	[smem:$0x3FB8] =	sst s10  }
0x32: {  	s10 =	sld [smem:$0x3FB6];
	_ =	sdelay $0x3  }
0x33: {  	p0 =	seq.s32 s10, $0x1;
	s10 =	sld [smem:$0x3FB8];
	_ =	sdelay $0x3  }
0x34: {  	[smem:$0x3FB8] =	sst s10  }
0x35: {  	s10 =	sld [smem:$0x3FB7];
	_ =	sdelay $0x3  }
0x36: {  	p1 =	seq.s32 s10, $0x1;
	s10 =	sld [smem:$0x3FB8];
	_ =	sdelay $0x3  }
0x37: {  	[smem:$0x3FB8] =	sst s10  }
0x38: {  	s10 =	sld [smem:$0x3FB9]  }
0x39: {  	_ = 	snop;
	(pc) =	sbr.ind lr, $3  }
0x3a: {  	_ = 	snop  }
0x3b: {  	_ = 	snop  }
0x3c: {  	p2 =	seq.s32 s10, $0x1;
	s10 =	sld [smem:$0x3FB8]  }
0x3d: {  	_ =	shalt  }
0x3e: {  	_ =	shalt  }
0x3f: {  	_ =	shalt  }
0x40: {  	_ =	shalt  }
0x41: {  	_ =	shalt  }
0x42: {  	_ =	shalt  }
0x43: {  	_ =	shalt  }
0x44: {  	_ =	shalt  }
0x45: {  	_ =	shalt  }
0x46: {  	_ =	shalt  }
0x47: {  	_ =	shalt  }
0x48: {  	_ =	shalt  }
0x49: {  	_ =	shalt  }
0x4a: {  	_ =	shalt  }
0x4b: {  	_ =	shalt  }
0x4c: {  	_ =	shalt  }
0x4d: {  	_ =	shalt  }
0x4e: {  	_ =	shalt  }
0x4f: {  	_ =	shalt  }
0x50: {  	_ =	shalt  }
0x51: {  	_ =	shalt  }
0x52: {  	_ =	shalt  }
0x53: {  	_ =	shalt  }
0x54: {  	_ =	shalt  }
0x55: {  	_ =	shalt  }
0x56: {  	_ =	shalt  }
0x57: {  	_ =	shalt  }
0x58: {  	_ =	shalt  }
0x59: {  	_ =	shalt  }
0x5a: {  	_ =	shalt  }
0x5b: {  	_ =	shalt  }
0x5c: {  	_ =	shalt  }
0x5d: {  	_ =	shalt  }
0x5e: {  	_ =	shalt  }
0x5f: {  	_ =	shalt  }
0x60: {  	_ =	shalt  }
0x61: {  	_ =	shalt  }
0x62: {  	_ =	shalt  }
0x63: {  	_ =	shalt  }
0x64: {  	_ =	shalt  }
0x65: {  	_ =	shalt  }
0x66: {  	_ =	shalt  }
0x67: {  	_ =	shalt  }
0x68: {  	_ =	shalt  }
0x69: {  	_ =	shalt  }
0x6a: {  	_ =	shalt  }
0x6b: {  	_ =	shalt  }
0x6c: {  	_ =	shalt  }
0x6d: {  	_ =	shalt  }
0x6e: {  	_ =	shalt  }
0x6f: {  	_ =	shalt  }
0x70: {  	_ =	shalt  }
0x71: {  	_ =	shalt  }
0x72: {  	_ =	shalt  }
0x73: {  	_ =	shalt  }
0x74: {  	_ =	shalt  }
0x75: {  	_ =	shalt  }
0x76: {  	_ =	shalt  }
0x77: {  	_ =	shalt  }
0x78: {  	_ =	shalt  }
0x79: {  	_ =	shalt  }
0x7a: {  	_ =	shalt  }
0x7b: {  	_ =	shalt  }
0x7c: {  	_ =	shalt  }
0x7d: {  	_ =	shalt  }
0x7e: {  	_ =	shalt  }
0x7f: {  	_ =	shalt  }
0x80: {  	_ =	shalt  }
0x81: {  	_ =	shalt  }
0x82: {  	_ =	shalt  }
0x83: {  	_ =	shalt  }
0x84: {  	_ =	shalt  }
0x85: {  	_ =	shalt  }
0x86: {  	_ =	shalt  }
0x87: {  	_ =	shalt  }
.Lfunc_end0:
.L_simem_size_0:
called_computation.2_lowered:
.L_overlay_start_0:
0x88: {  	s2 =	sld [smem:$0x3FD9]  }
0x89: {  	s3 =	sld [smem:$0x3FFE];
	_ =	sdelay $0x1  }
0x8a: {  	s1 =	srdreg.scid  }
0x8b: {  	s0 =	sand.u32 $0x1, s1  }
0x8c: {  	s17 =	sshll.u32 s0, $0xA;
	s2 =	sadd.s32 s3, s2  }
0x8d: {  	s2 =	sadd.s32 s2, s17  }
0x8e: {  	[smem:$0x3FC4] =	sst s2  }
0x8f: {  	_ = 	snop  }
0x90: {  	s2 =	sld [smem:$0x3FD0];
	(tm) =	ssettm $0x1  }
0x91: {  	s18 =	sld [smem:$0x3FFB];
	_ =	sdelay $0x3  }
0x92: {  	_ =	strace s18  }
0x93: {  	s3 =	sld [smem:$0x3FFC];
	_ =	sdelay $0x3  }
0x94: {  	_ =	strace s3  }
0x95: {  	s3 =	sld [smem:$0x3FFD];
	_ =	sdelay $0x3  }
0x96: {  	_ =	strace s3  }
0x97: {  	_ =	strace $0x8FFFFFFF  }
0x98: {  	s19 =	sld [smem:$0x3FDB];
	_ =	sdelay $0x1  }
0x99: {  	s4 =	simm.s32 $_scs_section_size  }
0x9a: {  	s5 =	simm.s32 $_size__tile_overlayer_lowered;
	s6 =	simm.s32 $_tile_overlayer_lowered  }
0x9b: {  	s22 =	simm.s32 $0x1BFF;
	s21 =	sshll.u32 s6, $0x1;
	s3 =	sadd.s32 s4, s19  }
0x9c: {  	s7 =	simm.s32 $0x0;
	s20 =	sshll.u32 s5, $0x1;
	s5 =	sadd.s32 s21, s3  }
0x9d: {  	[timem:s7], [sflag:s22] =	dma.local [hbm:s5], s20  }
0x9e: {  	_ =	swait.ge [sflag:s22], s20  }
0x9f: {  	s4 =	ssub.s32 $0x0, s20;
	[sflag:s22] =	ssyncset.done $0x0  }
0xa0: {  	[sflag:s22] =	ssyncadd.s32 s4;
	_ =	sdelay $0x1  }
0xa1: {  	s23 =	simm.s32 $0x1B8B  }
0xa2: {  	_ =	swait.ge [sflag:s23], $0x1  }
0xa3: {  	[sflag:s23] =	ssyncset.done $0x0  }
0xa4: {  	s25 =	simm.s32 $0x1B8E;
	s24 =	sld [smem:$0x3FFE];
	[sflag:s23] =	ssyncadd.s32 $0xFFFFFFFF  }
0xa5: {  	s26 =	simm.s32 $execute0_lowered;
	[smem:$0x3FD2] =	sst s25  }
0xa6: {  	s5 =	sshll.u32 s26, $0x1;
	_ =	strace $0x8000004C;
	[dreg:$0x1] =	wrdreg $0xFFFFFFFF  }
0xa7: {  	s28 =	simm.s32 $_size_execute0_lowered;
	s3 =	sadd.s32 s3, s5;
	[dreg:$0x0] =	wrdreg $0x0  }
0xa8: {  	s5 =	sshll.u32 s28, $0x1;
	[dreg:$0x2] =	wrdreg s3  }
0xa9: {  	[dreg:$0x3] =	wrdreg s5  }
0xaa: {  	[dreg:$0x4] =	wrdreg $0xC0  }
0xab: {  	_ =	task [dreg:s7], $0x5FFFF  }
0xac: {  	[dreg:$0x1] =	wrdreg $0xFFFFFFFF  }
0xad: {  	[dreg:$0x0] =	wrdreg $0x60  }
0xae: {  	[dreg:$0x2] =	wrdreg s2  }
0xaf: {  	[dreg:$0x3] =	wrdreg s24  }
0xb0: {  	[dreg:$0x4] =	wrdreg $0x9  }
0xb1: {  	_ =	task.clear_ibuf [dreg:s7], $0x5FFFF;
	_ =	strace $0x9000004C  }
0xb2: {  	s29 =	simm.s32 $0x9;
	_ =	strace $0x8000004E  }
0xb3: {  	_ =	swait.ge [sflag:s29], $0x1  }
0xb4: {  	[sflag:s29] =	ssyncadd.s32 $0xFFFFFFFF  }
0xb5: {  	_ =	strace $0x9000004E  }
0xb6: {  	_ =	sfence  }
0xb7: {  	s30 =	sld [smem:$0x0];
	_ =	sdelay $0x2  }
0xb8: {  	s31 =	sshll.u32 s1, $0xD;
	s1 =	sshrl.u32 s1, $0x2  }
0xb9: {  	s3 =	sand.u32 $0x4000, s31;
	s1 =	sadd.s32 s1, s30  }
0xba: {  	s0 =	sor.u32 s3, s0;
	s1 =	sshll.u32 s1, $0x11  }
0xbb: {  	s0 =	sor.u32 s1, s0  }
0xbc: {  	s0 =	sadd.s32 $0x8F2B, s0  }
0xbd: {  	[sflag:s0] =	ssyncadd.remote.s32 $0x1  }
0xbe: {  	_ =	sfence.sel $0xFFFF  }
0xbf: {  	[dreg:$0x0] =	wrdreg $0xFFFFFFFF;
	(pc) =	sbr.abs _section_cstart, $3  }
0xc0: {  	[dreg:$0x1] =	wrdreg $0xFFFFFFFF  }
0xc1: {  	_ =	task.clear_ibuf [dreg:s7], $0x2FFFF;
	_ =	strace $0x9FFFFFFF  }
0xc2: {  	(tm) =	ssettm $0x7FFFFFFF  }
0xc3: {  	_ =	shalt  }
tec
execute0_lowered:
.L_overlay_start_1:
0x0: {  	(tag) =	ssettag $0x1  }
0x1: {  	s3 =	rddreg [dreg:$0x0]  }
0x2: {  	s4 =	rddreg [dreg:$0x1]  }
0x3: {  	s0 =	rddreg [dreg:$0x2]  }
0x4: {  	s5 =	srdreg.scid;
	s1 =	stileid.u32  }
0x5: {  	s2 =	simm.s32 $0x0;
	s5 =	sand.u32 $0x1, s5;
	s6 =	sshll.u32 s1, $0x1  }
0x6: {  	s10 =	simm.s32 $0x0;
	[smem:$0x7FF] =	sst s2;
	s6 =	sor.u32 s5, s6  }
0x7: {  	_ =	strace $0x8000004D;
	s5 =	ssub.s32 $0x2, s5;
	s7 =	sshll.u32 s6, $0xC  }
0x8: {  	s6 =	sshll.u32 s6, $0x8;
	s31 =	sshrl.u32 s5, $0x1;
	s8 =	sadd.s32 s7, s4  }
0x9: {  	s6 =	sadd.s32 s6, s4;
	s9 =	ssub.s32 s5, s31;
	s3 =	sadd.s32 s3, s7  }
0xa: {  	v0 =	vlaneseq.u32;
	s7 =	simm.s32 $0x1;
	s4 =	sadd.s32 $0x400, s8;
	s5 =	sadd.s32 $0x20400, s6  }
0xb: {  	v0 =	vmul.u32 $0x10, v0;
	s6 =	smax.u32 s9, $0x1;
	s8 =	simm.s32 $0x8000;
	s9 =	simm.s32 $0x10000  }
.LBB2_1:
0xc: {  	[tilespmem:s2], [sflag:$0x1] =	stream.linear.gather [hbm4b:s3+s2], $0x8000, $0x38;
	[tilespmem:$0x10800] =	vst v63  }
0xd: {  	_ =	swait.ge [sflag:s7], $0x8000  }
0xe: {  	[sflag:s7] =	ssyncset.done $0x0  }
0xf: {  	s11 =	simm.s32 $0x0;
	[sflag:s7] =	ssyncadd.s32 $0xFFFF8000  }
0x10: {  	s12 =	simm.s32 $0x40;
	v1 =	vld [tilespmem:s11+$0x0]  }
.LBB2_2:
0x11: {  	p0 =	sne.s32 s12, $0x1FFC0  }
.Ltmp0:
0x12: {  	_ = 	snop;
	(pc) =	sbr.rel @p0 .LBB2_2-.Ltmp0, $3  }
0x13: {  	_ =	sdelay $0x1  }
0x14: {  	[tilespmem:s11+$0x8000] =	vst v1;
	s11 =	sshra.s32 s12, $0x2;
	s12 =	sadd.s32 $0x40, s12  }
0x15: {  	v1 =	vld [tilespmem:s11+$0x0]  }
0x16: {  	s12 =	simm.s32 $0x0  }
0x17: {  	v2 =	vmov s12  }
0x18: {  	v2 =	vshll.u32 v2, $0x4  }
0x19: {  	v2 =	vor.u32 v0, v2  }
0x1a: {  	v2 =	vor.u32 $0xF, v2;
	_ =	sdelay $0x1  }
0x1b: {  	s30 =	simm.s32 $0x10  }
0x1c: {  	[tilespmem:s11+$0x8000] =	vst v1;
	v1 =	vmov s30  }
0x1d: {  	v1 =	vshll.u32 v1, $0x4  }
0x1e: {  	v1 =	vor.u32 v0, v1;
	v3 =	vld.idx.msk [tilespmem:v2+s2+$0x0], $0xffff  }
0x1f: {  	v1 =	vor.u32 $0xF, v1;
	_ =	sdelay $0x2  }
0x20: {  	s31 =	simm.s32 $0x20;
	s11 =	simm.s32 $0x10000  }
0x21: {  	s12 =	simm.s32 $0x30;
	v2 =	vmov s31;
	[tilespmem:s11+$0x0] =	vst v3  }
.LBB2_4:
0x22: {  	p0 =	sne.s32 s12, $0x7F0;
	v2 =	vshll.u32 v2, $0x4;
	v3 =	vld.idx.msk [tilespmem:v1+s2+$0x0], $0xffff  }
0x23: {  	v1 =	vor.u32 v0, v2  }
.Ltmp1:
0x24: {  	v1 =	vor.u32 $0xF, v1;
	(pc) =	sbr.rel @p0 .LBB2_4-.Ltmp1, $3  }
0x25: {  	_ =	sdelay $0x1  }
0x26: {  	s11 =	sadd.s32 $0x10, s11  }
0x27: {  	v2 =	vmov s12;
	s12 =	sadd.s32 $0x10, s12;
	[tilespmem:s11+$0x0] =	vst v3  }
0x28: {  	_ =	sdelay $0x2  }
0x29: {  	v2 =	vshll.u32 v2, $0x4  }
0x2a: {  	v1 =	vld.idx.msk [tilespmem:v1+s2+$0x0], $0xffff;
	v2 =	vor.u32 v0, v2  }
0x2b: {  	v2 =	vor.u32 $0xF, v2;
	_ =	sdelay $0x2  }
0x2c: {  	s11 =	sadd.s32 $0x10, s11  }
0x2d: {  	[tilespmem:s11+$0x0] =	vst v1  }
0x2e: {  	v1 =	vld.idx.msk [tilespmem:v2+s2+$0x0], $0xffff;
	_ =	sdelay $0x3  }
0x2f: {  	s11 =	sadd.s32 $0x10, s11  }
0x30: {  	[tilespmem:s11+$0x0] =	vst v1  }
0x31: {  	[hbm4b:s4+s2] =	stream.linear.scatter [tilespmem:s8], [sflag:$0x1], $0x8000, $0x38;
	[tilespmem:$0x10800] =	vst v63  }
0x32: {  	s10 =	sadd.s32 $0x1, s10;
	_ =	swait.ge [sflag:s7], $0x8000  }
0x33: {  	p0 =	sne.s32 s10, s6;
	[sflag:s7] =	ssyncset.done $0x0  }
.Ltmp2:
0x34: {  	[sflag:s7] =	ssyncadd.s32 $0xFFFF8000;
	(pc) =	sbr.rel @p0 .LBB2_1-.Ltmp2, $4  }
0x35: {  	[hbm4b:s5+s2] =	stream.linear.scatter [tilespmem:s9], [sflag:$0x1], $0x800, $0x38;
	[tilespmem:$0x10800] =	vst v63  }
0x36: {  	_ =	swait.ge [sflag:s7], $0x800  }
0x37: {  	[sflag:s7] =	ssyncset.done $0x0  }
0x38: {  	[sflag:s7] =	ssyncadd.s32 $0xFFFFF800  }
0x39: {  	_ =	sfence.sel $0x180000  }
0x3a: {  	[bflag:$0x0] =	sbarrier.arrive $0xFFFF  }
0x3b: {  	p0 =	sne.s32 s1, $0x0;
	_ =	strace $0x9000004D  }
0x3c: {  	s0 =	sadd.s32 @!p0 $0x100000, s0;
	[bflag:$0x2] =	sbarrier.arrive $0xFFFF  }
0x3d: {  	[sflag:s0] =	ssyncadd.tile.s32 @!p0 $0x1;
	_ =	shalt  }
.Lfunc_end2:
_tile_overlayer_lowered:
.L_overlay_start_2:
0x3e: {  	(tag) =	ssettag $0x2  }
0x3f: {  	s0 =	rddreg [dreg:$0x0];
	s2 =	stileid.u32  }
0x40: {  	s1 =	rddreg [dreg:$0x1];
	p0 =	sne.s32 s2, $0x0  }
0x41: {  	s3 =	rddreg [dreg:$0x2];
	[bflag:$0x3] =	sbarrier.arrive $0xFFFF;
	s2 =	simm.s32 @!p0 $0x1C01  }
0x42: {  	[timem:s3], [sflag:s2] =	dma.local @!p0 [hbm:s0], s1  }
0x43: {  	s0 =	simm.s32 @!p0 $0x1  }
0x44: {  	_ =	swait.ge @!p0 [sflag:s0], s1  }
0x45: {  	s1 =	ssub.s32 @!p0 $0x0, s1;
	[sflag:s0] =	ssyncset.done @!p0 $0x0  }
0x46: {  	[sflag:s0] =	ssyncadd.s32 @!p0 s1  }
0x47: {  	[bflag:$0x3] =	sbarrier.arrive $0xFFFF  }
0x48: {  	_ =	shalt  }

</sc_bundles>
